<compile_context>
chip_gen: v7x
topology: tpu7x:2x2x1
jax: 0.10.2.dev20260603
libtpu: 0.0.44.dev20260713+nightly
codegen_flags: <defaults>
</compile_context>

<pallas_src>
import functools
import jax
import jax.numpy as jnp
from jax import lax
from jax.experimental import pallas as pl
from jax.experimental.pallas import tpu as pltpu
from jax.experimental.pallas import tpu_sc as plsc

NW = 32
CH = 64
_F32 = jnp.float32
_I32 = jnp.int32


def _iota():
    return lax.iota(_I32, 16)


def _splat_i(x):
    return jnp.full((16,), x, _I32)


def _rsqrt_newton(x):
    i = lax.bitcast_convert_type(x, _I32)
    i = jnp.int32(0x5F3759DF) - lax.shift_right_logical(i, 1)
    y = lax.bitcast_convert_type(i, _F32)
    for _ in range(4):
        y = y * (jnp.float32(1.5) - jnp.float32(0.5) * x * y * y)
    return y


def _vget(ref, idx):
    v = plsc.load_gather(ref, [_splat_i(idx)])
    return jnp.sum(jnp.where(_iota() == 0, v, 0))


def _load16(ref, base):
    return plsc.load_gather(ref, [_splat_i(base) + _iota()])


def _make_phase1(n_nodes, n_edges):
    E, N = n_edges, n_nodes
    EPW = E // NW
    GPW = 2 * E // NW
    PAD = CH * 16

    mesh = plsc.VectorSubcoreMesh(core_axis_name="c", subcore_axis_name="s")

    out_type = (
        jax.ShapeDtypeStruct((E * 16 + PAD,), _F32),
        jax.ShapeDtypeStruct((E * 16 + PAD,), _F32),
        jax.ShapeDtypeStruct((2 * E * 16 + PAD,), _F32),
        jax.ShapeDtypeStruct((6 * N,), _I32),
        jax.ShapeDtypeStruct((N,), _F32),
    )

    scratch = [
        pltpu.VMEM((N,), _F32),
        pltpu.VMEM((N,), _F32),
        pltpu.VMEM((EPW * 8,), _F32),
        pltpu.VMEM((EPW * 8,), _F32),
        pltpu.VMEM((EPW,), _I32),
        pltpu.VMEM((EPW,), _I32),
        pltpu.VMEM((EPW,), _F32),
        pltpu.VMEM((EPW * 16,), _F32),
        pltpu.VMEM((EPW * 16,), _F32),
        pltpu.VMEM((GPW * 8,), _F32),
        pltpu.VMEM((GPW * 16,), _F32),
        pltpu.VMEM((E + 16,), _I32),
        pltpu.VMEM((N + 32,), _I32),
        pltpu.VMEM((6 * N,), _I32),
    ]

    @functools.partial(pl.kernel, out_type=out_type, mesh=mesh,
                       scratch_types=scratch,
                       compiler_params=pltpu.CompilerParams(
                           needs_layout_passes=False))
    def phase1(maps_hbm, deg_hbm, r_hbm, c_hbm,
               b_out, bt_out, g_out, meta_out, dinv_out,
               degbuf, dinvbuf, fbuf, tbuf, rbuf, cbuf, sbuf,
               bloc, btloc, mbuf, gloc, rfull, endbuf, metabuf):
        wid = lax.axis_index("s") * 2 + lax.axis_index("c")
        iot = _iota()
        ia = lax.shift_right_logical(iot, 2)
        ib = lax.bitwise_and(iot, 3)

        pltpu.sync_copy(deg_hbm, degbuf)

        def dinv_body(k, _):
            x = _load16(degbuf, k * 16) * jnp.float32(2.0) + jnp.float32(1.0)
            plsc.store_scatter(dinvbuf, [_splat_i(k * 16) + iot],
                               _rsqrt_newton(x))
            return 0
        lax.fori_loop(0, N // 16, dinv_body, 0)

        e0 = wid * EPW
        pltpu.sync_copy(maps_hbm.at[pl.ds(e0 * 8, EPW * 8)], fbuf)
        pltpu.sync_copy(maps_hbm.at[pl.ds((E + e0) * 8, EPW * 8)], tbuf)
        pltpu.sync_copy(r_hbm.at[pl.ds(e0, EPW)], rbuf)
        pltpu.sync_copy(c_hbm.at[pl.ds(e0, EPW)], cbuf)

        def scale_body(k, _):
            rv = _load16(rbuf, k * 16)
            cv = _load16(cbuf, k * 16)
            dr = plsc.load_gather(dinvbuf, [rv])
            dc = plsc.load_gather(dinvbuf, [cv])
            plsc.store_scatter(sbuf, [_splat_i(k * 16) + iot], -(dr * dc))
            return 0
        lax.fori_loop(0, EPW // 16, scale_body, 0)

        def b_body(t, _):
            base = _splat_i(t * 8)
            fa0 = plsc.load_gather(fbuf, [base + ia])
            tb0 = plsc.load_gather(tbuf, [base + ib])
            fa1 = plsc.load_gather(fbuf, [base + 4 + ia])
            tb1 = plsc.load_gather(tbuf, [base + 4 + ib])
            s = plsc.load_gather(sbuf, [_splat_i(t)])
            blk = (fa0 * tb0 + fa1 * tb1) * s
            plsc.store_scatter(bloc, [_splat_i(t * 16) + iot], blk)
            plsc.store_scatter(btloc, [_splat_i(t * 16) + ib * 4 + ia], blk)
            return 0
        lax.fori_loop(0, EPW, b_body, 0)
        pltpu.sync_copy(bloc, b_out.at[pl.ds(e0 * 16, EPW * 16)])
        pltpu.sync_copy(btloc, bt_out.at[pl.ds(e0 * 16, EPW * 16)])

        g0 = wid * GPW
        pltpu.sync_copy(maps_hbm.at[pl.ds(g0 * 8, GPW * 8)], mbuf)

        def g_body(t, _):
            base = _splat_i(t * 8)
            ga0 = plsc.load_gather(mbuf, [base + ia])
            gb0 = plsc.load_gather(mbuf, [base + ib])
            ga1 = plsc.load_gather(mbuf, [base + 4 + ia])
            gb1 = plsc.load_gather(mbuf, [base + 4 + ib])
            plsc.store_scatter(gloc, [_splat_i(t * 16) + iot],
                               ga0 * gb0 + ga1 * gb1)
            return 0
        lax.fori_loop(0, GPW, g_body, 0)
        pltpu.sync_copy(gloc, g_out.at[pl.ds(g0 * 16, GPW * 16)])

        @pl.when(wid == 0)
        def _():
            pltpu.sync_copy(r_hbm, rfull.at[pl.ds(0, E)])
            plsc.store_scatter(rfull, [_splat_i(E) + iot], _splat_i(-1))

            def zend(k, _):
                plsc.store_scatter(endbuf, [_splat_i(k * 16) + iot],
                                   _splat_i(0))
                return 0
            lax.fori_loop(0, (N + 32) // 16, zend, 0)

            def bound(k, _):
                rv = _load16(rfull, k * 16)
                rn = _load16(rfull, k * 16 + 1)
                m = rv != rn
                plsc.store_scatter(endbuf, [rv + 1],
                                   _splat_i(k * 16 + 1) + iot, mask=m)
                return 0
            lax.fori_loop(0, E // 16, bound, 0)

            def fill(k, carry):
                v = _load16(endbuf, k * 16)
                cm = plsc.cummax(v)
                cm = jnp.maximum(cm, _splat_i(carry))
                plsc.store_scatter(endbuf, [_splat_i(k * 16) + iot], cm)
                return jnp.sum(jnp.where(iot == 15, cm, 0))
            lax.fori_loop(0, (N + 16) // 16, fill, 0)

            def meta_body(k, carry):
                cd, cl = carry
                degv = _load16(degbuf, k * 16).astype(_I32)
                usv = _load16(endbuf, k * 16)
                uev = _load16(endbuf, k * 16 + 1)
                udv = uev - usv
                ldv = degv - udv
                incd = plsc.cumsum(degv) + _splat_i(cd)
                incl = plsc.cumsum(ldv) + _splat_i(cl)
                off = _splat_i(k * 16) + iot
                plsc.store_scatter(metabuf, [off], incd - degv)
                plsc.store_scatter(metabuf, [_splat_i(N) + off], degv)
                plsc.store_scatter(metabuf, [_splat_i(2 * N) + off], usv)
                plsc.store_scatter(metabuf, [_splat_i(3 * N) + off], udv)
                plsc.store_scatter(metabuf, [_splat_i(4 * N) + off],
                                   incl - ldv)
                plsc.store_scatter(metabuf, [_splat_i(5 * N) + off], ldv)
                ncd = jnp.sum(jnp.where(iot == 15, incd, 0))
                ncl = jnp.sum(jnp.where(iot == 15, incl, 0))
                return (ncd, ncl)
            lax.fori_loop(0, N // 16, meta_body, (0, 0))
            pltpu.sync_copy(metabuf, meta_out)
            pltpu.sync_copy(dinvbuf, dinv_out)

    return phase1


def _make_phase2(n_nodes, n_edges):
    E, N = n_edges, n_nodes
    RPW = N // NW

    mesh = plsc.VectorSubcoreMesh(core_axis_name="c", subcore_axis_name="s")
    out_type = jax.ShapeDtypeStruct((4 * N, 4 * N), _F32)

    scratch = [
        pltpu.VMEM((6 * N,), _I32),
        pltpu.VMEM((N,), _F32),
        pltpu.VMEM((N,), _F32),
        pltpu.VMEM((CH * 16,), _F32),
        pltpu.VMEM((CH * 16,), _F32),
        pltpu.VMEM((CH * 16,), _F32),
        pltpu.VMEM((N + 16,), _I32),
        pltpu.VMEM((4, 4 * N), _F32),
    ]

    @functools.partial(pl.kernel, out_type=out_type, mesh=mesh,
                       scratch_types=scratch,
                       compiler_params=pltpu.CompilerParams(
                           needs_layout_passes=False))
    def phase2(adj_hbm, b_hbm, bt_hbm, g_hbm, meta_hbm, dinv_hbm, out_hbm,
               metabuf, dinvbuf, adjrow, gch, bch, btch, collist, strip):
        wid = lax.axis_index("s") * 2 + lax.axis_index("c")
        iot = _iota()
        ia = lax.shift_right_logical(iot, 2)
        ib = lax.bitwise_and(iot, 3)
        zf = jnp.zeros((16,), _F32)

        pltpu.sync_copy(meta_hbm, metabuf)
        pltpu.sync_copy(dinv_hbm, dinvbuf)

        def z_body(k, _):
            plsc.store_scatter(
                strip,
                [_splat_i(lax.shift_right_logical(k, 8)),
                 _splat_i(lax.bitwise_and(k, 255) * 16) + iot],
                zf)
            return 0
        lax.fori_loop(0, N, z_body, 0)

        def row_body(t, carry):
            cnt_prev, prev_i = carry
            i = wid * RPW + t

            @pl.when(prev_i >= 0)
            def _():
                def undo(u, _):
                    colspl = plsc.load_gather(collist, [_splat_i(u)])
                    plsc.store_scatter(strip, [ia, colspl * 4 + ib], zf)
                    return 0
                lax.fori_loop(0, cnt_prev, undo, 0)
                plsc.store_scatter(strip, [ia, _splat_i(prev_i * 4) + ib], zf)

            pltpu.sync_copy(adj_hbm.at[pl.ds(i * N, N)], adjrow)

            def scan(k, cnt):
                av = _load16(adjrow, k * 16)
                m = av != jnp.float32(0.0)
                mi = m.astype(_I32)
                cs = plsc.cumsum(mi)
                pos = _splat_i(cnt) + cs - 1
                plsc.store_scatter(collist, [pos],
                                   _splat_i(k * 16) + iot, mask=m)
                return cnt + jnp.sum(mi)
            lax.fori_loop(0, N // 16, scan, 0)

            rs = _vget(metabuf, i)
            dg = _vget(metabuf, N + i)
            us_ = _vget(metabuf, 2 * N + i)
            ud = _vget(metabuf, 3 * N + i)
            ls_ = _vget(metabuf, 4 * N + i)
            ld = _vget(metabuf, 5 * N + i)

            dspl = plsc.load_gather(dinvbuf, [_splat_i(i)])

            def diag_chunk(j, acc):
                pltpu.sync_copy(g_hbm.at[pl.ds((rs + j * CH) * 16, CH * 16)],
                                gch)
                lim = jnp.minimum(CH, dg - j * CH)

                def dsum(tt, a):
                    return a + _load16(gch, tt * 16)
                return lax.fori_loop(0, lim, dsum, acc)
            acc = lax.fori_loop(0, (dg + CH - 1) // CH, diag_chunk, zf)
            plsc.store_scatter(strip, [ia, _splat_i(i * 4) + ib],
                               acc * dspl * dspl)

            def low_chunk(j, _):
                pltpu.sync_copy(
                    bt_hbm.at[pl.ds((ls_ + j * CH) * 16, CH * 16)], btch)
                lim = jnp.minimum(CH, ld - j * CH)

                def place(tt, __):
                    colspl = plsc.load_gather(collist,
                                              [_splat_i(j * CH + tt)])
                    blk = _load16(btch, tt * 16)
                    plsc.store_scatter(strip, [ia, colspl * 4 + ib], blk)
                    return 0
                lax.fori_loop(0, lim, place, 0)
                return 0
            lax.fori_loop(0, (ld + CH - 1) // CH, low_chunk, 0)

            def up_chunk(j, _):
                pltpu.sync_copy(
                    b_hbm.at[pl.ds((us_ + j * CH) * 16, CH * 16)], bch)
                lim = jnp.minimum(CH, ud - j * CH)

                def place(tt, __):
                    colspl = plsc.load_gather(collist,
                                              [_splat_i(ld + j * CH + tt)])
                    blk = _load16(bch, tt * 16)
                    plsc.store_scatter(strip, [ia, colspl * 4 + ib], blk)
                    return 0
                lax.fori_loop(0, lim, place, 0)
                return 0
            lax.fori_loop(0, (ud + CH - 1) // CH, up_chunk, 0)

            pltpu.sync_copy(strip, out_hbm.at[pl.ds(i * 4, 4)])
            return (dg, i)

        lax.fori_loop(0, RPW, row_body, (0, -1))

    return phase2


def kernel(adj_mat, degrees, maps, edge_index):
    N = adj_mat.shape[0]
    E = maps.shape[0] // 2
    assert N % NW == 0 and E % (16 * NW) == 0 and maps.shape[1:] == (2, 4)

    maps_flat = maps.reshape(-1).astype(_F32)
    adj_flat = adj_mat.reshape(-1).astype(_F32)
    r_e = edge_index[0, :E].astype(_I32)
    c_e = edge_index[1, :E].astype(_I32)
    deg = degrees.astype(_F32)

    b, bt, g, meta, dinv = _make_phase1(N, E)(maps_flat, deg, r_e, c_e)
    return _make_phase2(N, E)(adj_flat, b, bt, g, meta, dinv)

# --- scband reference (transcript-rebuilt; emitter-appended) ---
"""Pipeline reference for scband-laplacian-builder-52991306498405 (READ-ONLY COPY).

The authoritative reference and input builder live on the scoring server;
editing this copy changes nothing except your own understanding.
"""

import jax, jax.numpy as jnp
import numpy as np

N = 1024
E = 8192
D_ROW = 2
MD = 4

def _build_edges():
    rng = np.random.default_rng(0)
    r = rng.integers(0, N, size=8 * E)
    c = rng.integers(0, N, size=8 * E)
    m = r < c
    pairs = np.unique(np.stack([r[m], c[m]], axis=1), axis=0)
    assert pairs.shape[0] >= E
    return pairs[:E]

def setup_inputs(seed: int = 0):
    key = jax.random.key(seed)
    pairs = _build_edges()
    r = pairs[:, 0]
    c = pairs[:, 1]
    adj = np.zeros((N, N), dtype=np.float32)
    adj[r, c] = 1.0
    adj[c, r] = 1.0
    degrees = adj.sum(axis=1)
    edge_index = np.concatenate([np.stack([r, c], 0), np.stack([c, r], 0)], axis=1).astype(np.int64)
    maps = jax.random.normal(key, (2 * E, D_ROW, MD), dtype=jnp.float32)
    return {
        'adj_mat': jnp.asarray(adj),
        'degrees': jnp.asarray(degrees, dtype=jnp.float32),
        'maps': maps,
        'edge_index': jnp.asarray(edge_index),
    }

def reference(adj_mat, degrees, maps, edge_index):
    d = maps.shape[1]
    num_edges = maps.shape[0] // 2
    num_nodes = adj_mat.shape[0]
    md = maps.shape[-1]
    eye = jnp.eye(num_nodes, dtype=bool)
    adj_bool = (adj_mat != 0) & (~eye)
    mask_triu = jnp.triu(adj_bool)
    mask_tril = jnp.tril(adj_bool)
    ul_r, ul_c = jnp.nonzero(adj_bool, size=2 * num_edges)
    tu_r, tu_c = jnp.nonzero(mask_triu, size=num_edges)
    tl_r, tl_c = jnp.nonzero(mask_tril, size=num_edges)
    # adj_mat_maps[mask_ul] = bmm(maps^T, maps)  (row-major boolean-mask assignment)
    blocks_ul = jnp.einsum('eij,eik->ejk', maps, maps)
    adj_mat_maps = jnp.zeros((num_nodes, num_nodes, md, md), dtype=maps.dtype)
    adj_mat_maps = adj_mat_maps.at[ul_r, ul_c].set(blocks_ul)
    maps_diag = adj_mat_maps.sum(axis=1)
    maps_from = maps[:num_edges]
    maps_to = maps[num_edges:]
    maps_triu = jnp.einsum('eij,eik->ejk', maps_from, maps_to)
    row = edge_index[0, :num_edges]
    col = edge_index[1, :num_edges]
    dinv = jnp.power(degrees * d + 1.0, -0.5).reshape(-1, 1, 1)
    maps_triu = dinv[row] * maps_triu * dinv[col]
    maps_diag = dinv * maps_diag * dinv
    maps_tril = jnp.transpose(maps_triu, (0, 2, 1))
    L = jnp.zeros((num_nodes, num_nodes, md, md), dtype=maps.dtype)
    L = L.at[tu_r, tu_c].set(-maps_triu)
    L = L.at[tl_r, tl_c].set(-maps_tril)
    di = jnp.arange(num_nodes)
    L = L.at[di, di].set(maps_diag)
    L = jnp.transpose(L, (0, 2, 1, 3)).reshape(num_nodes * md, num_nodes * md)
    return L

if __name__ == "__main__":
    import jax
    _d = setup_inputs()
    print(jax.jit(kernel)(*tuple(_d.values())))

</pallas_src>

<mosaic_0001>
#map = affine_map<(d0, d1) -> (0)>
module attributes {stable_mosaic.version = 14 : i64} {
  func.func @phase1(%arg0: i32, %arg1: i32, %arg2: memref<131072xf32, #tpu.memory_space<hbm>>, %arg3: memref<1024xf32, #tpu.memory_space<hbm>>, %arg4: memref<8192xi32, #tpu.memory_space<hbm>>, %arg5: memref<8192xi32, #tpu.memory_space<hbm>>, %arg6: memref<132096xf32, #tpu.memory_space<hbm>>, %arg7: memref<132096xf32, #tpu.memory_space<hbm>>, %arg8: memref<263168xf32, #tpu.memory_space<hbm>>, %arg9: memref<6144xi32, #tpu.memory_space<hbm>>, %arg10: memref<1024xf32, #tpu.memory_space<hbm>>, %arg11: memref<1024xf32, #tpu.memory_space<vmem>>, %arg12: memref<1024xf32, #tpu.memory_space<vmem>>, %arg13: memref<2048xf32, #tpu.memory_space<vmem>>, %arg14: memref<2048xf32, #tpu.memory_space<vmem>>, %arg15: memref<256xi32, #tpu.memory_space<vmem>>, %arg16: memref<256xi32, #tpu.memory_space<vmem>>, %arg17: memref<256xf32, #tpu.memory_space<vmem>>, %arg18: memref<4096xf32, #tpu.memory_space<vmem>>, %arg19: memref<4096xf32, #tpu.memory_space<vmem>>, %arg20: memref<4096xf32, #tpu.memory_space<vmem>>, %arg21: memref<8192xf32, #tpu.memory_space<vmem>>, %arg22: memref<8208xi32, #tpu.memory_space<vmem>>, %arg23: memref<1056xi32, #tpu.memory_space<vmem>>, %arg24: memref<6144xi32, #tpu.memory_space<vmem>>) attributes {dimension_semantics = [#tpu.dimension_semantics<core_parallel>, #tpu.dimension_semantics<subcore_parallel>], iteration_bounds = array<i64: 2, 16>, scalar_prefetch = 0 : i64, scratch_operands = 14 : i64, tpu.core_type = #tpu.core_type<sc_vector_subcore>, window_params = [{transform_indices = #map}, {transform_indices = #map}, {transform_indices = #map}, {transform_indices = #map}, {transform_indices = #map}, {transform_indices = #map}, {transform_indices = #map}, {transform_indices = #map}, {transform_indices = #map}]} {
    %mul3A = arith.constant 2 : i32
    %mul3A_0 = arith.muli %arg1, %mul3A : i32
    %add3A = arith.addi %mul3A_0, %arg0 : i32
    %iota3A = tpu.iota {dimensions = array<i32: 0>} : vector<16xi32>
    %shift_right_logical3A = arith.constant 2 : i32
    %shift_right_logical3A_1 = vector.broadcast %shift_right_logical3A : i32 to vector<16xi32>
    %shift_right_logical3A_2 = arith.shrui %iota3A, %shift_right_logical3A_1 : vector<16xi32>
    %and3A = arith.constant 3 : i32
    %and3A_3 = vector.broadcast %and3A : i32 to vector<16xi32>
    %and3A_4 = arith.andi %iota3A, %and3A_3 : vector<16xi32>
    "tpu.region"() ({
      %run_scoped3A = tpu.sem_alloc : memref<!tpu.dma_semaphore, #tpu.memory_space<semaphore_mem>>
      tpu.enqueue_dma source(%arg3 : memref<1024xf32, #tpu.memory_space<hbm>>) target(%arg11 : memref<1024xf32, #tpu.memory_space<vmem>>) target_semaphore(%run_scoped3A : memref<!tpu.dma_semaphore, #tpu.memory_space<semaphore_mem>>)
      tpu.wait_dma2 semaphore(%run_scoped3A : memref<!tpu.dma_semaphore, #tpu.memory_space<semaphore_mem>>) src(%arg3 : memref<1024xf32, #tpu.memory_space<hbm>>) dst(%arg11 : memref<1024xf32, #tpu.memory_space<vmem>>)
      tpu.yield
    }) : () -> ()
    %scan3A = arith.constant 0 : i32
    %scan3A_5 = arith.constant 0 : i32
    %scan3A_6 = arith.constant 64 : i32
    %scan3A_7 = arith.addi %scan3A_5, %scan3A_6 : i32
    %scan3A_8 = arith.constant 1 : i32
    %scan3A_9 = scf.for %scan3A_52 = %scan3A_5 to %scan3A_7 step %scan3A_8 iter_args(%scan3A_53 = %scan3A) -> (i32)  : i32 {
      %mul3A_54 = arith.constant 16 : i32
      %mul3A_55 = arith.muli %scan3A_52, %mul3A_54 : i32
      %broadcast_in_dim3A = vector.broadcast %mul3A_55 : i32 to vector<16xi32>
      %iota3A_56 = tpu.iota {dimensions = array<i32: 0>} : vector<16xi32>
      %add3A_57 = arith.addi %broadcast_in_dim3A, %iota3A_56 : vector<16xi32>
      %gather3A = tpu.vector_load_idx %arg11[%add3A_57] : memref<1024xf32, #tpu.memory_space<vmem>>[vector<16xi32>], vector<16xf32>,
      %mul3A_58 = arith.constant 2.000000e+00 : f32
      %mul3A_59 = vector.broadcast %mul3A_58 : f32 to vector<16xf32>
      %mul3A_60 = arith.mulf %gather3A, %mul3A_59 : vector<16xf32>
      %add3A_61 = arith.constant 1.000000e+00 : f32
      %add3A_62 = vector.broadcast %add3A_61 : f32 to vector<16xf32>
      %add3A_63 = arith.addf %mul3A_60, %add3A_62 : vector<16xf32>
      %mul3A_64 = arith.constant 16 : i32
      %mul3A_65 = arith.muli %scan3A_52, %mul3A_64 : i32
      %broadcast_in_dim3A_66 = vector.broadcast %mul3A_65 : i32 to vector<16xi32>
      %add3A_67 = arith.addi %broadcast_in_dim3A_66, %iota3A : vector<16xi32>
      %bitcast_convert_type3A = tpu.bitcast %add3A_63 : vector<16xf32> -> vector<16xi32>
      %shift_right_logical3A_68 = arith.constant 1 : i32
      %shift_right_logical3A_69 = vector.broadcast %shift_right_logical3A_68 : i32 to vector<16xi32>
      %shift_right_logical3A_70 = arith.shrui %bitcast_convert_type3A, %shift_right_logical3A_69 : vector<16xi32>
      %sub3A = arith.constant 1597463007 : i32
      %sub3A_71 = vector.broadcast %sub3A : i32 to vector<16xi32>
      %sub3A_72 = arith.subi %sub3A_71, %shift_right_logical3A_70 : vector<16xi32>
      %bitcast_convert_type3A_73 = tpu.bitcast %sub3A_72 : vector<16xi32> -> vector<16xf32>
      %mul3A_74 = arith.constant 5.000000e-01 : f32
      %mul3A_75 = vector.broadcast %mul3A_74 : f32 to vector<16xf32>
      %mul3A_76 = arith.mulf %mul3A_75, %add3A_63 : vector<16xf32>
      %mul3A_77 = arith.mulf %mul3A_76, %bitcast_convert_type3A_73 : vector<16xf32>
      %mul3A_78 = arith.mulf %mul3A_77, %bitcast_convert_type3A_73 : vector<16xf32>
      %sub3A_79 = arith.constant 1.500000e+00 : f32
      %sub3A_80 = vector.broadcast %sub3A_79 : f32 to vector<16xf32>
      %sub3A_81 = arith.subf %sub3A_80, %mul3A_78 : vector<16xf32>
      %mul3A_82 = arith.mulf %bitcast_convert_type3A_73, %sub3A_81 : vector<16xf32>
      %mul3A_83 = arith.constant 5.000000e-01 : f32
      %mul3A_84 = vector.broadcast %mul3A_83 : f32 to vector<16xf32>
      %mul3A_85 = arith.mulf %mul3A_84, %add3A_63 : vector<16xf32>
      %mul3A_86 = arith.mulf %mul3A_85, %mul3A_82 : vector<16xf32>
      %mul3A_87 = arith.mulf %mul3A_86, %mul3A_82 : vector<16xf32>
      %sub3A_88 = arith.constant 1.500000e+00 : f32
      %sub3A_89 = vector.broadcast %sub3A_88 : f32 to vector<16xf32>
      %sub3A_90 = arith.subf %sub3A_89, %mul3A_87 : vector<16xf32>
      %mul3A_91 = arith.mulf %mul3A_82, %sub3A_90 : vector<16xf32>
      %mul3A_92 = arith.constant 5.000000e-01 : f32
      %mul3A_93 = vector.broadcast %mul3A_92 : f32 to vector<16xf32>
      %mul3A_94 = arith.mulf %mul3A_93, %add3A_63 : vector<16xf32>
      %mul3A_95 = arith.mulf %mul3A_94, %mul3A_91 : vector<16xf32>
      %mul3A_96 = arith.mulf %mul3A_95, %mul3A_91 : vector<16xf32>
      %sub3A_97 = arith.constant 1.500000e+00 : f32
      %sub3A_98 = vector.broadcast %sub3A_97 : f32 to vector<16xf32>
      %sub3A_99 = arith.subf %sub3A_98, %mul3A_96 : vector<16xf32>
      %mul3A_100 = arith.mulf %mul3A_91, %sub3A_99 : vector<16xf32>
      %mul3A_101 = arith.constant 5.000000e-01 : f32
      %mul3A_102 = vector.broadcast %mul3A_101 : f32 to vector<16xf32>
      %mul3A_103 = arith.mulf %mul3A_102, %add3A_63 : vector<16xf32>
      %mul3A_104 = arith.mulf %mul3A_103, %mul3A_100 : vector<16xf32>
      %mul3A_105 = arith.mulf %mul3A_104, %mul3A_100 : vector<16xf32>
      %sub3A_106 = arith.constant 1.500000e+00 : f32
      %sub3A_107 = vector.broadcast %sub3A_106 : f32 to vector<16xf32>
      %sub3A_108 = arith.subf %sub3A_107, %mul3A_105 : vector<16xf32>
      %mul3A_109 = arith.mulf %mul3A_100, %sub3A_108 : vector<16xf32>
      tpu.vector_store_idx %arg12[%add3A_67], %mul3A_109 : memref<1024xf32, #tpu.memory_space<vmem>>[vector<16xi32>], vector<16xf32>,
      %scan3A_110 = arith.constant 0 : i32
      scf.yield %scan3A_110 : i32
    }
    %scan3A_10 = arith.constant 64 : i32
    %mul3A_11 = arith.constant 256 : i32
    %mul3A_12 = arith.muli %add3A, %mul3A_11 : i32
    %mul3A_13 = arith.constant 8 : i32
    %mul3A_14 = arith.muli %mul3A_12, %mul3A_13 : i32
    "tpu.region"() ({
      %run_scoped3A = tpu.sem_alloc : memref<!tpu.dma_semaphore, #tpu.memory_space<semaphore_mem>>
      %dma_start3A = tpu.memref_slice %arg2[%mul3A_14] : memref<131072xf32, #tpu.memory_space<hbm>> -> memref<2048xf32, #tpu.memory_space<hbm>>
      %dma_start3A_52 = tpu.memref_slice %arg2[%mul3A_14] : memref<131072xf32, #tpu.memory_space<hbm>> -> memref<2048xf32, #tpu.memory_space<hbm>>
      tpu.enqueue_dma source(%dma_start3A_52 : memref<2048xf32, #tpu.memory_space<hbm>>) target(%arg13 : memref<2048xf32, #tpu.memory_space<vmem>>) target_semaphore(%run_scoped3A : memref<!tpu.dma_semaphore, #tpu.memory_space<semaphore_mem>>)
      %dma_wait3A = tpu.memref_slice %arg2[%mul3A_14] : memref<131072xf32, #tpu.memory_space<hbm>> -> memref<2048xf32, #tpu.memory_space<hbm>>
      %dma_wait3A_53 = tpu.memref_slice %arg2[%mul3A_14] : memref<131072xf32, #tpu.memory_space<hbm>> -> memref<2048xf32, #tpu.memory_space<hbm>>
      tpu.wait_dma2 semaphore(%run_scoped3A : memref<!tpu.dma_semaphore, #tpu.memory_space<semaphore_mem>>) src(%dma_wait3A_53 : memref<2048xf32, #tpu.memory_space<hbm>>) dst(%arg13 : memref<2048xf32, #tpu.memory_space<vmem>>)
      tpu.yield
    }) : () -> ()
    %add3A_15 = arith.constant 8192 : i32
    %add3A_16 = arith.addi %add3A_15, %mul3A_12 : i32
    %mul3A_17 = arith.constant 8 : i32
    %mul3A_18 = arith.muli %add3A_16, %mul3A_17 : i32
    "tpu.region"() ({
      %run_scoped3A = tpu.sem_alloc : memref<!tpu.dma_semaphore, #tpu.memory_space<semaphore_mem>>
      %dma_start3A = tpu.memref_slice %arg2[%mul3A_18] : memref<131072xf32, #tpu.memory_space<hbm>> -> memref<2048xf32, #tpu.memory_space<hbm>>
      %dma_start3A_52 = tpu.memref_slice %arg2[%mul3A_18] : memref<131072xf32, #tpu.memory_space<hbm>> -> memref<2048xf32, #tpu.memory_space<hbm>>
      tpu.enqueue_dma source(%dma_start3A_52 : memref<2048xf32, #tpu.memory_space<hbm>>) target(%arg14 : memref<2048xf32, #tpu.memory_space<vmem>>) target_semaphore(%run_scoped3A : memref<!tpu.dma_semaphore, #tpu.memory_space<semaphore_mem>>)
      %dma_wait3A = tpu.memref_slice %arg2[%mul3A_18] : memref<131072xf32, #tpu.memory_space<hbm>> -> memref<2048xf32, #tpu.memory_space<hbm>>
      %dma_wait3A_53 = tpu.memref_slice %arg2[%mul3A_18] : memref<131072xf32, #tpu.memory_space<hbm>> -> memref<2048xf32, #tpu.memory_space<hbm>>
      tpu.wait_dma2 semaphore(%run_scoped3A : memref<!tpu.dma_semaphore, #tpu.memory_space<semaphore_mem>>) src(%dma_wait3A_53 : memref<2048xf32, #tpu.memory_space<hbm>>) dst(%arg14 : memref<2048xf32, #tpu.memory_space<vmem>>)
      tpu.yield
    }) : () -> ()
    "tpu.region"() ({
      %run_scoped3A = tpu.sem_alloc : memref<!tpu.dma_semaphore, #tpu.memory_space<semaphore_mem>>
      %dma_start3A = tpu.memref_slice %arg4[%mul3A_12] : memref<8192xi32, #tpu.memory_space<hbm>> -> memref<256xi32, #tpu.memory_space<hbm>>
      %dma_start3A_52 = tpu.memref_slice %arg4[%mul3A_12] : memref<8192xi32, #tpu.memory_space<hbm>> -> memref<256xi32, #tpu.memory_space<hbm>>
      tpu.enqueue_dma source(%dma_start3A_52 : memref<256xi32, #tpu.memory_space<hbm>>) target(%arg15 : memref<256xi32, #tpu.memory_space<vmem>>) target_semaphore(%run_scoped3A : memref<!tpu.dma_semaphore, #tpu.memory_space<semaphore_mem>>)
      %dma_wait3A = tpu.memref_slice %arg4[%mul3A_12] : memref<8192xi32, #tpu.memory_space<hbm>> -> memref<256xi32, #tpu.memory_space<hbm>>
      %dma_wait3A_53 = tpu.memref_slice %arg4[%mul3A_12] : memref<8192xi32, #tpu.memory_space<hbm>> -> memref<256xi32, #tpu.memory_space<hbm>>
      tpu.wait_dma2 semaphore(%run_scoped3A : memref<!tpu.dma_semaphore, #tpu.memory_space<semaphore_mem>>) src(%dma_wait3A_53 : memref<256xi32, #tpu.memory_space<hbm>>) dst(%arg15 : memref<256xi32, #tpu.memory_space<vmem>>)
      tpu.yield
    }) : () -> ()
    "tpu.region"() ({
      %run_scoped3A = tpu.sem_alloc : memref<!tpu.dma_semaphore, #tpu.memory_space<semaphore_mem>>
      %dma_start3A = tpu.memref_slice %arg5[%mul3A_12] : memref<8192xi32, #tpu.memory_space<hbm>> -> memref<256xi32, #tpu.memory_space<hbm>>
      %dma_start3A_52 = tpu.memref_slice %arg5[%mul3A_12] : memref<8192xi32, #tpu.memory_space<hbm>> -> memref<256xi32, #tpu.memory_space<hbm>>
      tpu.enqueue_dma source(%dma_start3A_52 : memref<256xi32, #tpu.memory_space<hbm>>) target(%arg16 : memref<256xi32, #tpu.memory_space<vmem>>) target_semaphore(%run_scoped3A : memref<!tpu.dma_semaphore, #tpu.memory_space<semaphore_mem>>)
      %dma_wait3A = tpu.memref_slice %arg5[%mul3A_12] : memref<8192xi32, #tpu.memory_space<hbm>> -> memref<256xi32, #tpu.memory_space<hbm>>
      %dma_wait3A_53 = tpu.memref_slice %arg5[%mul3A_12] : memref<8192xi32, #tpu.memory_space<hbm>> -> memref<256xi32, #tpu.memory_space<hbm>>
      tpu.wait_dma2 semaphore(%run_scoped3A : memref<!tpu.dma_semaphore, #tpu.memory_space<semaphore_mem>>) src(%dma_wait3A_53 : memref<256xi32, #tpu.memory_space<hbm>>) dst(%arg16 : memref<256xi32, #tpu.memory_space<vmem>>)
      tpu.yield
    }) : () -> ()
    %scan3A_19 = arith.constant 0 : i32
    %scan3A_20 = arith.constant 0 : i32
    %scan3A_21 = arith.constant 16 : i32
    %scan3A_22 = arith.addi %scan3A_20, %scan3A_21 : i32
    %scan3A_23 = arith.constant 1 : i32
    %scan3A_24 = scf.for %scan3A_52 = %scan3A_20 to %scan3A_22 step %scan3A_23 iter_args(%scan3A_53 = %scan3A_19) -> (i32)  : i32 {
      %mul3A_54 = arith.constant 16 : i32
      %mul3A_55 = arith.muli %scan3A_52, %mul3A_54 : i32
      %broadcast_in_dim3A = vector.broadcast %mul3A_55 : i32 to vector<16xi32>
      %iota3A_56 = tpu.iota {dimensions = array<i32: 0>} : vector<16xi32>
      %add3A_57 = arith.addi %broadcast_in_dim3A, %iota3A_56 : vector<16xi32>
      %gather3A = tpu.vector_load_idx %arg15[%add3A_57] : memref<256xi32, #tpu.memory_space<vmem>>[vector<16xi32>], vector<16xi32>,
      %mul3A_58 = arith.constant 16 : i32
      %mul3A_59 = arith.muli %scan3A_52, %mul3A_58 : i32
      %broadcast_in_dim3A_60 = vector.broadcast %mul3A_59 : i32 to vector<16xi32>
      %iota3A_61 = tpu.iota {dimensions = array<i32: 0>} : vector<16xi32>
      %add3A_62 = arith.addi %broadcast_in_dim3A_60, %iota3A_61 : vector<16xi32>
      %gather3A_63 = tpu.vector_load_idx %arg16[%add3A_62] : memref<256xi32, #tpu.memory_space<vmem>>[vector<16xi32>], vector<16xi32>,
      %gather3A_64 = tpu.vector_load_idx %arg12[%gather3A] : memref<1024xf32, #tpu.memory_space<vmem>>[vector<16xi32>], vector<16xf32>,
      %gather3A_65 = tpu.vector_load_idx %arg12[%gather3A_63] : memref<1024xf32, #tpu.memory_space<vmem>>[vector<16xi32>], vector<16xf32>,
      %mul3A_66 = arith.constant 16 : i32
      %mul3A_67 = arith.muli %scan3A_52, %mul3A_66 : i32
      %broadcast_in_dim3A_68 = vector.broadcast %mul3A_67 : i32 to vector<16xi32>
      %add3A_69 = arith.addi %broadcast_in_dim3A_68, %iota3A : vector<16xi32>
      %mul3A_70 = arith.mulf %gather3A_64, %gather3A_65 : vector<16xf32>
      %neg3A = arith.constant 0.000000e+00 : f32
      %neg3A_71 = vector.broadcast %neg3A : f32 to vector<16xf32>
      %neg3A_72 = arith.subf %neg3A_71, %mul3A_70 : vector<16xf32>
      tpu.vector_store_idx %arg17[%add3A_69], %neg3A_72 : memref<256xf32, #tpu.memory_space<vmem>>[vector<16xi32>], vector<16xf32>,
      %scan3A_73 = arith.constant 0 : i32
      scf.yield %scan3A_73 : i32
    }
    %scan3A_25 = arith.constant 16 : i32
    %scan3A_26 = arith.constant 0 : i32
    %scan3A_27 = arith.constant 0 : i32
    %scan3A_28 = arith.constant 256 : i32
    %scan3A_29 = arith.addi %scan3A_27, %scan3A_28 : i32
    %scan3A_30 = arith.constant 1 : i32
    %scan3A_31 = scf.for %scan3A_52 = %scan3A_27 to %scan3A_29 step %scan3A_30 iter_args(%scan3A_53 = %scan3A_26) -> (i32)  : i32 {
      %mul3A_54 = arith.constant 8 : i32
      %mul3A_55 = arith.muli %scan3A_52, %mul3A_54 : i32
      %broadcast_in_dim3A = vector.broadcast %mul3A_55 : i32 to vector<16xi32>
      %add3A_56 = arith.addi %broadcast_in_dim3A, %shift_right_logical3A_2 : vector<16xi32>
      %gather3A = tpu.vector_load_idx %arg13[%add3A_56] : memref<2048xf32, #tpu.memory_space<vmem>>[vector<16xi32>], vector<16xf32>,
      %add3A_57 = arith.addi %broadcast_in_dim3A, %and3A_4 : vector<16xi32>
      %gather3A_58 = tpu.vector_load_idx %arg14[%add3A_57] : memref<2048xf32, #tpu.memory_space<vmem>>[vector<16xi32>], vector<16xf32>,
      %add3A_59 = arith.constant 4 : i32
      %add3A_60 = vector.broadcast %add3A_59 : i32 to vector<16xi32>
      %add3A_61 = arith.addi %broadcast_in_dim3A, %add3A_60 : vector<16xi32>
      %add3A_62 = arith.addi %add3A_61, %shift_right_logical3A_2 : vector<16xi32>
      %gather3A_63 = tpu.vector_load_idx %arg13[%add3A_62] : memref<2048xf32, #tpu.memory_space<vmem>>[vector<16xi32>], vector<16xf32>,
      %add3A_64 = arith.constant 4 : i32
      %add3A_65 = vector.broadcast %add3A_64 : i32 to vector<16xi32>
      %add3A_66 = arith.addi %broadcast_in_dim3A, %add3A_65 : vector<16xi32>
      %add3A_67 = arith.addi %add3A_66, %and3A_4 : vector<16xi32>
      %gather3A_68 = tpu.vector_load_idx %arg14[%add3A_67] : memref<2048xf32, #tpu.memory_space<vmem>>[vector<16xi32>], vector<16xf32>,
      %broadcast_in_dim3A_69 = vector.broadcast %scan3A_52 : i32 to vector<16xi32>
      %gather3A_70 = tpu.vector_load_idx %arg17[%broadcast_in_dim3A_69] : memref<256xf32, #tpu.memory_space<vmem>>[vector<16xi32>], vector<16xf32>,
      %mul3A_71 = arith.mulf %gather3A, %gather3A_58 : vector<16xf32>
      %mul3A_72 = arith.mulf %gather3A_63, %gather3A_68 : vector<16xf32>
      %add3A_73 = arith.addf %mul3A_71, %mul3A_72 : vector<16xf32>
      %mul3A_74 = arith.mulf %add3A_73, %gather3A_70 : vector<16xf32>
      %mul3A_75 = arith.constant 16 : i32
      %mul3A_76 = arith.muli %scan3A_52, %mul3A_75 : i32
      %broadcast_in_dim3A_77 = vector.broadcast %mul3A_76 : i32 to vector<16xi32>
      %add3A_78 = arith.addi %broadcast_in_dim3A_77, %iota3A : vector<16xi32>
      tpu.vector_store_idx %arg18[%add3A_78], %mul3A_74 : memref<4096xf32, #tpu.memory_space<vmem>>[vector<16xi32>], vector<16xf32>,
      %mul3A_79 = arith.constant 16 : i32
      %mul3A_80 = arith.muli %scan3A_52, %mul3A_79 : i32
      %broadcast_in_dim3A_81 = vector.broadcast %mul3A_80 : i32 to vector<16xi32>
      %mul3A_82 = arith.constant 4 : i32
      %mul3A_83 = vector.broadcast %mul3A_82 : i32 to vector<16xi32>
      %mul3A_84 = arith.muli %and3A_4, %mul3A_83 : vector<16xi32>
      %add3A_85 = arith.addi %broadcast_in_dim3A_81, %mul3A_84 : vector<16xi32>
      %add3A_86 = arith.addi %add3A_85, %shift_right_logical3A_2 : vector<16xi32>
      tpu.vector_store_idx %arg19[%add3A_86], %mul3A_74 : memref<4096xf32, #tpu.memory_space<vmem>>[vector<16xi32>], vector<16xf32>,
      %scan3A_87 = arith.constant 0 : i32
      scf.yield %scan3A_87 : i32
    }
    %scan3A_32 = arith.constant 256 : i32
    %mul3A_33 = arith.constant 16 : i32
    %mul3A_34 = arith.muli %mul3A_12, %mul3A_33 : i32
    "tpu.region"() ({
      %run_scoped3A = tpu.sem_alloc : memref<!tpu.dma_semaphore, #tpu.memory_space<semaphore_mem>>
      %dma_start3A = tpu.memref_slice %arg6[%mul3A_34] : memref<132096xf32, #tpu.memory_space<hbm>> -> memref<4096xf32, #tpu.memory_space<hbm>>
      %dma_start3A_52 = tpu.memref_slice %arg6[%mul3A_34] : memref<132096xf32, #tpu.memory_space<hbm>> -> memref<4096xf32, #tpu.memory_space<hbm>>
      tpu.enqueue_dma source(%arg18 : memref<4096xf32, #tpu.memory_space<vmem>>) target(%dma_start3A_52 : memref<4096xf32, #tpu.memory_space<hbm>>) target_semaphore(%run_scoped3A : memref<!tpu.dma_semaphore, #tpu.memory_space<semaphore_mem>>)
      %dma_wait3A = tpu.memref_slice %arg6[%mul3A_34] : memref<132096xf32, #tpu.memory_space<hbm>> -> memref<4096xf32, #tpu.memory_space<hbm>>
      %dma_wait3A_53 = tpu.memref_slice %arg6[%mul3A_34] : memref<132096xf32, #tpu.memory_space<hbm>> -> memref<4096xf32, #tpu.memory_space<hbm>>
      tpu.wait_dma2 semaphore(%run_scoped3A : memref<!tpu.dma_semaphore, #tpu.memory_space<semaphore_mem>>) src(%arg18 : memref<4096xf32, #tpu.memory_space<vmem>>) dst(%dma_wait3A_53 : memref<4096xf32, #tpu.memory_space<hbm>>)
      tpu.yield
    }) : () -> ()
    %mul3A_35 = arith.constant 16 : i32
    %mul3A_36 = arith.muli %mul3A_12, %mul3A_35 : i32
    "tpu.region"() ({
      %run_scoped3A = tpu.sem_alloc : memref<!tpu.dma_semaphore, #tpu.memory_space<semaphore_mem>>
      %dma_start3A = tpu.memref_slice %arg7[%mul3A_36] : memref<132096xf32, #tpu.memory_space<hbm>> -> memref<4096xf32, #tpu.memory_space<hbm>>
      %dma_start3A_52 = tpu.memref_slice %arg7[%mul3A_36] : memref<132096xf32, #tpu.memory_space<hbm>> -> memref<4096xf32, #tpu.memory_space<hbm>>
      tpu.enqueue_dma source(%arg19 : memref<4096xf32, #tpu.memory_space<vmem>>) target(%dma_start3A_52 : memref<4096xf32, #tpu.memory_space<hbm>>) target_semaphore(%run_scoped3A : memref<!tpu.dma_semaphore, #tpu.memory_space<semaphore_mem>>)
      %dma_wait3A = tpu.memref_slice %arg7[%mul3A_36] : memref<132096xf32, #tpu.memory_space<hbm>> -> memref<4096xf32, #tpu.memory_space<hbm>>
      %dma_wait3A_53 = tpu.memref_slice %arg7[%mul3A_36] : memref<132096xf32, #tpu.memory_space<hbm>> -> memref<4096xf32, #tpu.memory_space<hbm>>
      tpu.wait_dma2 semaphore(%run_scoped3A : memref<!tpu.dma_semaphore, #tpu.memory_space<semaphore_mem>>) src(%arg19 : memref<4096xf32, #tpu.memory_space<vmem>>) dst(%dma_wait3A_53 : memref<4096xf32, #tpu.memory_space<hbm>>)
      tpu.yield
    }) : () -> ()
    %mul3A_37 = arith.constant 512 : i32
    %mul3A_38 = arith.muli %add3A, %mul3A_37 : i32
    %mul3A_39 = arith.constant 8 : i32
    %mul3A_40 = arith.muli %mul3A_38, %mul3A_39 : i32
    "tpu.region"() ({
      %run_scoped3A = tpu.sem_alloc : memref<!tpu.dma_semaphore, #tpu.memory_space<semaphore_mem>>
      %dma_start3A = tpu.memref_slice %arg2[%mul3A_40] : memref<131072xf32, #tpu.memory_space<hbm>> -> memref<4096xf32, #tpu.memory_space<hbm>>
      %dma_start3A_52 = tpu.memref_slice %arg2[%mul3A_40] : memref<131072xf32, #tpu.memory_space<hbm>> -> memref<4096xf32, #tpu.memory_space<hbm>>
      tpu.enqueue_dma source(%dma_start3A_52 : memref<4096xf32, #tpu.memory_space<hbm>>) target(%arg20 : memref<4096xf32, #tpu.memory_space<vmem>>) target_semaphore(%run_scoped3A : memref<!tpu.dma_semaphore, #tpu.memory_space<semaphore_mem>>)
      %dma_wait3A = tpu.memref_slice %arg2[%mul3A_40] : memref<131072xf32, #tpu.memory_space<hbm>> -> memref<4096xf32, #tpu.memory_space<hbm>>
      %dma_wait3A_53 = tpu.memref_slice %arg2[%mul3A_40] : memref<131072xf32, #tpu.memory_space<hbm>> -> memref<4096xf32, #tpu.memory_space<hbm>>
      tpu.wait_dma2 semaphore(%run_scoped3A : memref<!tpu.dma_semaphore, #tpu.memory_space<semaphore_mem>>) src(%dma_wait3A_53 : memref<4096xf32, #tpu.memory_space<hbm>>) dst(%arg20 : memref<4096xf32, #tpu.memory_space<vmem>>)
      tpu.yield
    }) : () -> ()
    %scan3A_41 = arith.constant 0 : i32
    %scan3A_42 = arith.constant 0 : i32
    %scan3A_43 = arith.constant 512 : i32
    %scan3A_44 = arith.addi %scan3A_42, %scan3A_43 : i32
    %scan3A_45 = arith.constant 1 : i32
    %scan3A_46 = scf.for %scan3A_52 = %scan3A_42 to %scan3A_44 step %scan3A_45 iter_args(%scan3A_53 = %scan3A_41) -> (i32)  : i32 {
      %mul3A_54 = arith.constant 8 : i32
      %mul3A_55 = arith.muli %scan3A_52, %mul3A_54 : i32
      %broadcast_in_dim3A = vector.broadcast %mul3A_55 : i32 to vector<16xi32>
      %add3A_56 = arith.addi %broadcast_in_dim3A, %shift_right_logical3A_2 : vector<16xi32>
      %gather3A = tpu.vector_load_idx %arg20[%add3A_56] : memref<4096xf32, #tpu.memory_space<vmem>>[vector<16xi32>], vector<16xf32>,
      %add3A_57 = arith.addi %broadcast_in_dim3A, %and3A_4 : vector<16xi32>
      %gather3A_58 = tpu.vector_load_idx %arg20[%add3A_57] : memref<4096xf32, #tpu.memory_space<vmem>>[vector<16xi32>], vector<16xf32>,
      %add3A_59 = arith.constant 4 : i32
      %add3A_60 = vector.broadcast %add3A_59 : i32 to vector<16xi32>
      %add3A_61 = arith.addi %broadcast_in_dim3A, %add3A_60 : vector<16xi32>
      %add3A_62 = arith.addi %add3A_61, %shift_right_logical3A_2 : vector<16xi32>
      %gather3A_63 = tpu.vector_load_idx %arg20[%add3A_62] : memref<4096xf32, #tpu.memory_space<vmem>>[vector<16xi32>], vector<16xf32>,
      %add3A_64 = arith.constant 4 : i32
      %add3A_65 = vector.broadcast %add3A_64 : i32 to vector<16xi32>
      %add3A_66 = arith.addi %broadcast_in_dim3A, %add3A_65 : vector<16xi32>
      %add3A_67 = arith.addi %add3A_66, %and3A_4 : vector<16xi32>
      %gather3A_68 = tpu.vector_load_idx %arg20[%add3A_67] : memref<4096xf32, #tpu.memory_space<vmem>>[vector<16xi32>], vector<16xf32>,
      %mul3A_69 = arith.constant 16 : i32
      %mul3A_70 = arith.muli %scan3A_52, %mul3A_69 : i32
      %broadcast_in_dim3A_71 = vector.broadcast %mul3A_70 : i32 to vector<16xi32>
      %add3A_72 = arith.addi %broadcast_in_dim3A_71, %iota3A : vector<16xi32>
      %mul3A_73 = arith.mulf %gather3A, %gather3A_58 : vector<16xf32>
      %mul3A_74 = arith.mulf %gather3A_63, %gather3A_68 : vector<16xf32>
      %add3A_75 = arith.addf %mul3A_73, %mul3A_74 : vector<16xf32>
      tpu.vector_store_idx %arg21[%add3A_72], %add3A_75 : memref<8192xf32, #tpu.memory_space<vmem>>[vector<16xi32>], vector<16xf32>,
      %scan3A_76 = arith.constant 0 : i32
      scf.yield %scan3A_76 : i32
    }
    %scan3A_47 = arith.constant 512 : i32
    %mul3A_48 = arith.constant 16 : i32
    %mul3A_49 = arith.muli %mul3A_38, %mul3A_48 : i32
    "tpu.region"() ({
      %run_scoped3A = tpu.sem_alloc : memref<!tpu.dma_semaphore, #tpu.memory_space<semaphore_mem>>
      %dma_start3A = tpu.memref_slice %arg8[%mul3A_49] : memref<263168xf32, #tpu.memory_space<hbm>> -> memref<8192xf32, #tpu.memory_space<hbm>>
      %dma_start3A_52 = tpu.memref_slice %arg8[%mul3A_49] : memref<263168xf32, #tpu.memory_space<hbm>> -> memref<8192xf32, #tpu.memory_space<hbm>>
      tpu.enqueue_dma source(%arg21 : memref<8192xf32, #tpu.memory_space<vmem>>) target(%dma_start3A_52 : memref<8192xf32, #tpu.memory_space<hbm>>) target_semaphore(%run_scoped3A : memref<!tpu.dma_semaphore, #tpu.memory_space<semaphore_mem>>)
      %dma_wait3A = tpu.memref_slice %arg8[%mul3A_49] : memref<263168xf32, #tpu.memory_space<hbm>> -> memref<8192xf32, #tpu.memory_space<hbm>>
      %dma_wait3A_53 = tpu.memref_slice %arg8[%mul3A_49] : memref<263168xf32, #tpu.memory_space<hbm>> -> memref<8192xf32, #tpu.memory_space<hbm>>
      tpu.wait_dma2 semaphore(%run_scoped3A : memref<!tpu.dma_semaphore, #tpu.memory_space<semaphore_mem>>) src(%arg21 : memref<8192xf32, #tpu.memory_space<vmem>>) dst(%dma_wait3A_53 : memref<8192xf32, #tpu.memory_space<hbm>>)
      tpu.yield
    }) : () -> ()
    %eq3A = arith.constant 0 : i32
    %eq3A_50 = arith.cmpi eq, %add3A, %eq3A : i32
    %convert_element_type3A = arith.extui %eq3A_50 : i1 to i32
    %cond3A = arith.constant 0 : i32
    %cond3A_51 = arith.cmpi ne, %convert_element_type3A, %cond3A : i32
    scf.if %cond3A_51 {
      "tpu.region"() ({
        %run_scoped3A = tpu.sem_alloc : memref<!tpu.dma_semaphore, #tpu.memory_space<semaphore_mem>>
        %dma_start3A = arith.constant 0 : i32
        %dma_start3A_85 = tpu.memref_slice %arg22[%dma_start3A] : memref<8208xi32, #tpu.memory_space<vmem>> -> memref<8192xi32, #tpu.memory_space<vmem>>
        %dma_start3A_86 = arith.constant 0 : i32
        %dma_start3A_87 = tpu.memref_slice %arg22[%dma_start3A_86] : memref<8208xi32, #tpu.memory_space<vmem>> -> memref<8192xi32, #tpu.memory_space<vmem>>
        tpu.enqueue_dma source(%arg4 : memref<8192xi32, #tpu.memory_space<hbm>>) target(%dma_start3A_87 : memref<8192xi32, #tpu.memory_space<vmem>>) target_semaphore(%run_scoped3A : memref<!tpu.dma_semaphore, #tpu.memory_space<semaphore_mem>>)
        %dma_wait3A = arith.constant 0 : i32
        %dma_wait3A_88 = tpu.memref_slice %arg22[%dma_wait3A] : memref<8208xi32, #tpu.memory_space<vmem>> -> memref<8192xi32, #tpu.memory_space<vmem>>
        %dma_wait3A_89 = arith.constant 0 : i32
        %dma_wait3A_90 = tpu.memref_slice %arg22[%dma_wait3A_89] : memref<8208xi32, #tpu.memory_space<vmem>> -> memref<8192xi32, #tpu.memory_space<vmem>>
        tpu.wait_dma2 semaphore(%run_scoped3A : memref<!tpu.dma_semaphore, #tpu.memory_space<semaphore_mem>>) src(%arg4 : memref<8192xi32, #tpu.memory_space<hbm>>) dst(%dma_wait3A_90 : memref<8192xi32, #tpu.memory_space<vmem>>)
        tpu.yield
      }) : () -> ()
      %broadcast_in_dim3A = arith.constant 8192 : i32
      %broadcast_in_dim3A_52 = vector.broadcast %broadcast_in_dim3A : i32 to vector<16xi32>
      %add3A_53 = arith.addi %broadcast_in_dim3A_52, %iota3A : vector<16xi32>
      %broadcast_in_dim3A_54 = arith.constant -1 : i32
      %broadcast_in_dim3A_55 = vector.broadcast %broadcast_in_dim3A_54 : i32 to vector<16xi32>
      tpu.vector_store_idx %arg22[%add3A_53], %broadcast_in_dim3A_55 : memref<8208xi32, #tpu.memory_space<vmem>>[vector<16xi32>], vector<16xi32>,
      %scan3A_56 = arith.constant 0 : i32
      %scan3A_57 = arith.constant 0 : i32
      %scan3A_58 = arith.constant 66 : i32
      %scan3A_59 = arith.addi %scan3A_57, %scan3A_58 : i32
      %scan3A_60 = arith.constant 1 : i32
      %scan3A_61 = scf.for %scan3A_85 = %scan3A_57 to %scan3A_59 step %scan3A_60 iter_args(%scan3A_86 = %scan3A_56) -> (i32)  : i32 {
        %mul3A_87 = arith.constant 16 : i32
        %mul3A_88 = arith.muli %scan3A_85, %mul3A_87 : i32
        %broadcast_in_dim3A_89 = vector.broadcast %mul3A_88 : i32 to vector<16xi32>
        %add3A_90 = arith.addi %broadcast_in_dim3A_89, %iota3A : vector<16xi32>
        %broadcast_in_dim3A_91 = arith.constant 0 : i32
        %broadcast_in_dim3A_92 = vector.broadcast %broadcast_in_dim3A_91 : i32 to vector<16xi32>
        tpu.vector_store_idx %arg23[%add3A_90], %broadcast_in_dim3A_92 : memref<1056xi32, #tpu.memory_space<vmem>>[vector<16xi32>], vector<16xi32>,
        %scan3A_93 = arith.constant 0 : i32
        scf.yield %scan3A_93 : i32
      }
      %scan3A_62 = arith.constant 66 : i32
      %scan3A_63 = arith.constant 0 : i32
      %scan3A_64 = arith.constant 0 : i32
      %scan3A_65 = arith.constant 512 : i32
      %scan3A_66 = arith.addi %scan3A_64, %scan3A_65 : i32
      %scan3A_67 = arith.constant 1 : i32
      %scan3A_68 = scf.for %scan3A_85 = %scan3A_64 to %scan3A_66 step %scan3A_67 iter_args(%scan3A_86 = %scan3A_63) -> (i32)  : i32 {
        %mul3A_87 = arith.constant 16 : i32
        %mul3A_88 = arith.muli %scan3A_85, %mul3A_87 : i32
        %broadcast_in_dim3A_89 = vector.broadcast %mul3A_88 : i32 to vector<16xi32>
        %iota3A_90 = tpu.iota {dimensions = array<i32: 0>} : vector<16xi32>
        %add3A_91 = arith.addi %broadcast_in_dim3A_89, %iota3A_90 : vector<16xi32>
        %gather3A = tpu.vector_load_idx %arg22[%add3A_91] : memref<8208xi32, #tpu.memory_space<vmem>>[vector<16xi32>], vector<16xi32>,
        %mul3A_92 = arith.constant 16 : i32
        %mul3A_93 = arith.muli %scan3A_85, %mul3A_92 : i32
        %add3A_94 = arith.constant 1 : i32
        %add3A_95 = arith.addi %mul3A_93, %add3A_94 : i32
        %broadcast_in_dim3A_96 = vector.broadcast %add3A_95 : i32 to vector<16xi32>
        %iota3A_97 = tpu.iota {dimensions = array<i32: 0>} : vector<16xi32>
        %add3A_98 = arith.addi %broadcast_in_dim3A_96, %iota3A_97 : vector<16xi32>
        %gather3A_99 = tpu.vector_load_idx %arg22[%add3A_98] : memref<8208xi32, #tpu.memory_space<vmem>>[vector<16xi32>], vector<16xi32>,
        %ne3A = arith.cmpi ne, %gather3A, %gather3A_99 : vector<16xi32>
        %add3A_100 = arith.constant 1 : i32
        %add3A_101 = vector.broadcast %add3A_100 : i32 to vector<16xi32>
        %add3A_102 = arith.addi %gather3A, %add3A_101 : vector<16xi32>
        %mul3A_103 = arith.constant 16 : i32
        %mul3A_104 = arith.muli %scan3A_85, %mul3A_103 : i32
        %add3A_105 = arith.constant 1 : i32
        %add3A_106 = arith.addi %mul3A_104, %add3A_105 : i32
        %broadcast_in_dim3A_107 = vector.broadcast %add3A_106 : i32 to vector<16xi32>
        %add3A_108 = arith.addi %broadcast_in_dim3A_107, %iota3A : vector<16xi32>
        tpu.vector_store_idx %arg23[%add3A_102], %add3A_108 masked %ne3A : memref<1056xi32, #tpu.memory_space<vmem>>[vector<16xi32>], vector<16xi32>, vector<16xi1>
        %scan3A_109 = arith.constant 0 : i32
        scf.yield %scan3A_109 : i32
      }
      %scan3A_69 = arith.constant 512 : i32
      %scan3A_70 = arith.constant 0 : i32
      %scan3A_71 = arith.constant 0 : i32
      %scan3A_72 = arith.constant 65 : i32
      %scan3A_73 = arith.addi %scan3A_71, %scan3A_72 : i32
      %scan3A_74 = arith.constant 1 : i32
      %scan3A_75 = scf.for %scan3A_85 = %scan3A_71 to %scan3A_73 step %scan3A_74 iter_args(%scan3A_86 = %scan3A_70) -> (i32)  : i32 {
        %mul3A_87 = arith.constant 16 : i32
        %mul3A_88 = arith.muli %scan3A_85, %mul3A_87 : i32
        %broadcast_in_dim3A_89 = vector.broadcast %mul3A_88 : i32 to vector<16xi32>
        %iota3A_90 = tpu.iota {dimensions = array<i32: 0>} : vector<16xi32>
        %add3A_91 = arith.addi %broadcast_in_dim3A_89, %iota3A_90 : vector<16xi32>
        %gather3A = tpu.vector_load_idx %arg23[%add3A_91] : memref<1056xi32, #tpu.memory_space<vmem>>[vector<16xi32>], vector<16xi32>,
        %broadcast_in_dim3A_92 = arith.constant true
        %broadcast_in_dim3A_93 = vector.broadcast %broadcast_in_dim3A_92 : i1 to vector<16xi1>
        %masked_cummax3A = arith.constant -2147483648 : i32
        %masked_cummax3A_94 = vector.broadcast %masked_cummax3A : i32 to vector<16xi32>
        %masked_cummax3A_95 = arith.xori %gather3A, %masked_cummax3A_94 : vector<16xi32>
        %masked_cummax3A_96 = tpu.scan <max>, %masked_cummax3A_95 masked %broadcast_in_dim3A_93 : vector<16xi32>, vector<16xi1> -> vector<16xi32>
        %masked_cummax3A_97 = arith.xori %masked_cummax3A_96, %masked_cummax3A_94 : vector<16xi32>
        %broadcast_in_dim3A_98 = vector.broadcast %scan3A_86 : i32 to vector<16xi32>
        %max3A = arith.maxsi %masked_cummax3A_97, %broadcast_in_dim3A_98 : vector<16xi32>
        %mul3A_99 = arith.constant 16 : i32
        %mul3A_100 = arith.muli %scan3A_85, %mul3A_99 : i32
        %broadcast_in_dim3A_101 = vector.broadcast %mul3A_100 : i32 to vector<16xi32>
        %add3A_102 = arith.addi %broadcast_in_dim3A_101, %iota3A : vector<16xi32>
        tpu.vector_store_idx %arg23[%add3A_102], %max3A : memref<1056xi32, #tpu.memory_space<vmem>>[vector<16xi32>], vector<16xi32>,
        %eq3A_103 = arith.constant 15 : i32
        %eq3A_104 = vector.broadcast %eq3A_103 : i32 to vector<16xi32>
        %eq3A_105 = arith.cmpi eq, %iota3A, %eq3A_104 : vector<16xi32>
        %jit3A = arith.constant 0 : i32
        %broadcast_in_dim3A_106 = vector.broadcast %jit3A : i32 to vector<16xi32>
        %select_n3A = arith.select %eq3A_105, %max3A, %broadcast_in_dim3A_106 : vector<16xi1>, vector<16xi32>
        %reduce_sum3A = arith.constant true
        %reduce_sum3A_107 = vector.broadcast %reduce_sum3A : i1 to vector<16xi1>
        %reduce_sum3A_108 = tpu.scan <sum>, %select_n3A masked %reduce_sum3A_107 : vector<16xi32>, vector<16xi1> -> vector<16xi32>
        %reduce_sum3A_109 = vector.extract %reduce_sum3A_108[15] : i32 from vector<16xi32>
        scf.yield %reduce_sum3A_109 : i32
      }
      %scan3A_76 = arith.constant 65 : i32
      %scan3A_77 = arith.constant 0 : i32
      %scan3A_78 = arith.constant 0 : i32
      %scan3A_79 = arith.constant 0 : i32
      %scan3A_80 = arith.constant 64 : i32
      %scan3A_81 = arith.addi %scan3A_79, %scan3A_80 : i32
      %scan3A_82 = arith.constant 1 : i32
      %scan3A_83:2 = scf.for %scan3A_85 = %scan3A_79 to %scan3A_81 step %scan3A_82 iter_args(%scan3A_86 = %scan3A_77, %scan3A_87 = %scan3A_78) -> (i32, i32)  : i32 {
        %mul3A_88 = arith.constant 16 : i32
        %mul3A_89 = arith.muli %scan3A_85, %mul3A_88 : i32
        %broadcast_in_dim3A_90 = vector.broadcast %mul3A_89 : i32 to vector<16xi32>
        %iota3A_91 = tpu.iota {dimensions = array<i32: 0>} : vector<16xi32>
        %add3A_92 = arith.addi %broadcast_in_dim3A_90, %iota3A_91 : vector<16xi32>
        %gather3A = tpu.vector_load_idx %arg11[%add3A_92] : memref<1024xf32, #tpu.memory_space<vmem>>[vector<16xi32>], vector<16xf32>,
        %convert_element_type3A_93 = arith.fptosi %gather3A : vector<16xf32> to vector<16xi32>
        %mul3A_94 = arith.constant 16 : i32
        %mul3A_95 = arith.muli %scan3A_85, %mul3A_94 : i32
        %broadcast_in_dim3A_96 = vector.broadcast %mul3A_95 : i32 to vector<16xi32>
        %iota3A_97 = tpu.iota {dimensions = array<i32: 0>} : vector<16xi32>
        %add3A_98 = arith.addi %broadcast_in_dim3A_96, %iota3A_97 : vector<16xi32>
        %gather3A_99 = tpu.vector_load_idx %arg23[%add3A_98] : memref<1056xi32, #tpu.memory_space<vmem>>[vector<16xi32>], vector<16xi32>,
        %mul3A_100 = arith.constant 16 : i32
        %mul3A_101 = arith.muli %scan3A_85, %mul3A_100 : i32
        %add3A_102 = arith.constant 1 : i32
        %add3A_103 = arith.addi %mul3A_101, %add3A_102 : i32
        %broadcast_in_dim3A_104 = vector.broadcast %add3A_103 : i32 to vector<16xi32>
        %iota3A_105 = tpu.iota {dimensions = array<i32: 0>} : vector<16xi32>
        %add3A_106 = arith.addi %broadcast_in_dim3A_104, %iota3A_105 : vector<16xi32>
        %gather3A_107 = tpu.vector_load_idx %arg23[%add3A_106] : memref<1056xi32, #tpu.memory_space<vmem>>[vector<16xi32>], vector<16xi32>,
        %sub3A = arith.subi %gather3A_107, %gather3A_99 : vector<16xi32>
        %sub3A_108 = arith.subi %convert_element_type3A_93, %sub3A : vector<16xi32>
        %broadcast_in_dim3A_109 = arith.constant true
        %broadcast_in_dim3A_110 = vector.broadcast %broadcast_in_dim3A_109 : i1 to vector<16xi1>
        %masked_cumsum3A = tpu.scan <sum>, %convert_element_type3A_93 masked %broadcast_in_dim3A_110 : vector<16xi32>, vector<16xi1> -> vector<16xi32>
        %broadcast_in_dim3A_111 = vector.broadcast %scan3A_86 : i32 to vector<16xi32>
        %add3A_112 = arith.addi %masked_cumsum3A, %broadcast_in_dim3A_111 : vector<16xi32>
        %broadcast_in_dim3A_113 = arith.constant true
        %broadcast_in_dim3A_114 = vector.broadcast %broadcast_in_dim3A_113 : i1 to vector<16xi1>
        %masked_cumsum3A_115 = tpu.scan <sum>, %sub3A_108 masked %broadcast_in_dim3A_114 : vector<16xi32>, vector<16xi1> -> vector<16xi32>
        %broadcast_in_dim3A_116 = vector.broadcast %scan3A_87 : i32 to vector<16xi32>
        %add3A_117 = arith.addi %masked_cumsum3A_115, %broadcast_in_dim3A_116 : vector<16xi32>
        %mul3A_118 = arith.constant 16 : i32
        %mul3A_119 = arith.muli %scan3A_85, %mul3A_118 : i32
        %broadcast_in_dim3A_120 = vector.broadcast %mul3A_119 : i32 to vector<16xi32>
        %add3A_121 = arith.addi %broadcast_in_dim3A_120, %iota3A : vector<16xi32>
        %sub3A_122 = arith.subi %add3A_112, %convert_element_type3A_93 : vector<16xi32>
        tpu.vector_store_idx %arg24[%add3A_121], %sub3A_122 : memref<6144xi32, #tpu.memory_space<vmem>>[vector<16xi32>], vector<16xi32>,
        %broadcast_in_dim3A_123 = arith.constant 1024 : i32
        %broadcast_in_dim3A_124 = vector.broadcast %broadcast_in_dim3A_123 : i32 to vector<16xi32>
        %add3A_125 = arith.addi %broadcast_in_dim3A_124, %add3A_121 : vector<16xi32>
        tpu.vector_store_idx %arg24[%add3A_125], %convert_element_type3A_93 : memref<6144xi32, #tpu.memory_space<vmem>>[vector<16xi32>], vector<16xi32>,
        %broadcast_in_dim3A_126 = arith.constant 2048 : i32
        %broadcast_in_dim3A_127 = vector.broadcast %broadcast_in_dim3A_126 : i32 to vector<16xi32>
        %add3A_128 = arith.addi %broadcast_in_dim3A_127, %add3A_121 : vector<16xi32>
        tpu.vector_store_idx %arg24[%add3A_128], %gather3A_99 : memref<6144xi32, #tpu.memory_space<vmem>>[vector<16xi32>], vector<16xi32>,
        %broadcast_in_dim3A_129 = arith.constant 3072 : i32
        %broadcast_in_dim3A_130 = vector.broadcast %broadcast_in_dim3A_129 : i32 to vector<16xi32>
        %add3A_131 = arith.addi %broadcast_in_dim3A_130, %add3A_121 : vector<16xi32>
        tpu.vector_store_idx %arg24[%add3A_131], %sub3A : memref<6144xi32, #tpu.memory_space<vmem>>[vector<16xi32>], vector<16xi32>,
        %broadcast_in_dim3A_132 = arith.constant 4096 : i32
        %broadcast_in_dim3A_133 = vector.broadcast %broadcast_in_dim3A_132 : i32 to vector<16xi32>
        %add3A_134 = arith.addi %broadcast_in_dim3A_133, %add3A_121 : vector<16xi32>
        %sub3A_135 = arith.subi %add3A_117, %sub3A_108 : vector<16xi32>
        tpu.vector_store_idx %arg24[%add3A_134], %sub3A_135 : memref<6144xi32, #tpu.memory_space<vmem>>[vector<16xi32>], vector<16xi32>,
        %broadcast_in_dim3A_136 = arith.constant 5120 : i32
        %broadcast_in_dim3A_137 = vector.broadcast %broadcast_in_dim3A_136 : i32 to vector<16xi32>
        %add3A_138 = arith.addi %broadcast_in_dim3A_137, %add3A_121 : vector<16xi32>
        tpu.vector_store_idx %arg24[%add3A_138], %sub3A_108 : memref<6144xi32, #tpu.memory_space<vmem>>[vector<16xi32>], vector<16xi32>,
        %eq3A_139 = arith.constant 15 : i32
        %eq3A_140 = vector.broadcast %eq3A_139 : i32 to vector<16xi32>
        %eq3A_141 = arith.cmpi eq, %iota3A, %eq3A_140 : vector<16xi32>
        %jit3A = arith.constant 0 : i32
        %broadcast_in_dim3A_142 = vector.broadcast %jit3A : i32 to vector<16xi32>
        %select_n3A = arith.select %eq3A_141, %add3A_112, %broadcast_in_dim3A_142 : vector<16xi1>, vector<16xi32>
        %reduce_sum3A = arith.constant true
        %reduce_sum3A_143 = vector.broadcast %reduce_sum3A : i1 to vector<16xi1>
        %reduce_sum3A_144 = tpu.scan <sum>, %select_n3A masked %reduce_sum3A_143 : vector<16xi32>, vector<16xi1> -> vector<16xi32>
        %reduce_sum3A_145 = vector.extract %reduce_sum3A_144[15] : i32 from vector<16xi32>
        %eq3A_146 = arith.constant 15 : i32
        %eq3A_147 = vector.broadcast %eq3A_146 : i32 to vector<16xi32>
        %eq3A_148 = arith.cmpi eq, %iota3A, %eq3A_147 : vector<16xi32>
        %jit3A_149 = arith.constant 0 : i32
        %broadcast_in_dim3A_150 = vector.broadcast %jit3A_149 : i32 to vector<16xi32>
        %select_n3A_151 = arith.select %eq3A_148, %add3A_117, %broadcast_in_dim3A_150 : vector<16xi1>, vector<16xi32>
        %reduce_sum3A_152 = arith.constant true
        %reduce_sum3A_153 = vector.broadcast %reduce_sum3A_152 : i1 to vector<16xi1>
        %reduce_sum3A_154 = tpu.scan <sum>, %select_n3A_151 masked %reduce_sum3A_153 : vector<16xi32>, vector<16xi1> -> vector<16xi32>
        %reduce_sum3A_155 = vector.extract %reduce_sum3A_154[15] : i32 from vector<16xi32>
        scf.yield %reduce_sum3A_145, %reduce_sum3A_155 : i32, i32
      }
      %scan3A_84 = arith.constant 64 : i32
      "tpu.region"() ({
        %run_scoped3A = tpu.sem_alloc : memref<!tpu.dma_semaphore, #tpu.memory_space<semaphore_mem>>
        tpu.enqueue_dma source(%arg24 : memref<6144xi32, #tpu.memory_space<vmem>>) target(%arg9 : memref<6144xi32, #tpu.memory_space<hbm>>) target_semaphore(%run_scoped3A : memref<!tpu.dma_semaphore, #tpu.memory_space<semaphore_mem>>)
        tpu.wait_dma2 semaphore(%run_scoped3A : memref<!tpu.dma_semaphore, #tpu.memory_space<semaphore_mem>>) src(%arg24 : memref<6144xi32, #tpu.memory_space<vmem>>) dst(%arg9 : memref<6144xi32, #tpu.memory_space<hbm>>)
        tpu.yield
      }) : () -> ()
      "tpu.region"() ({
        %run_scoped3A = tpu.sem_alloc : memref<!tpu.dma_semaphore, #tpu.memory_space<semaphore_mem>>
        tpu.enqueue_dma source(%arg12 : memref<1024xf32, #tpu.memory_space<vmem>>) target(%arg10 : memref<1024xf32, #tpu.memory_space<hbm>>) target_semaphore(%run_scoped3A : memref<!tpu.dma_semaphore, #tpu.memory_space<semaphore_mem>>)
        tpu.wait_dma2 semaphore(%run_scoped3A : memref<!tpu.dma_semaphore, #tpu.memory_space<semaphore_mem>>) src(%arg12 : memref<1024xf32, #tpu.memory_space<vmem>>) dst(%arg10 : memref<1024xf32, #tpu.memory_space<hbm>>)
        tpu.yield
      }) : () -> ()
    } else {
    }
    return
  }
}

#map = affine_map<(d0, d1) -> (0)>
#map1 = affine_map<(d0, d1) -> (0, 0)>
module attributes {stable_mosaic.version = 14 : i64} {
  func.func @phase2(%arg0: i32, %arg1: i32, %arg2: memref<1048576xf32, #tpu.memory_space<hbm>>, %arg3: memref<132096xf32, #tpu.memory_space<hbm>>, %arg4: memref<132096xf32, #tpu.memory_space<hbm>>, %arg5: memref<263168xf32, #tpu.memory_space<hbm>>, %arg6: memref<6144xi32, #tpu.memory_space<hbm>>, %arg7: memref<1024xf32, #tpu.memory_space<hbm>>, %arg8: memref<4096x4096xf32, #tpu.memory_space<hbm>>, %arg9: memref<6144xi32, #tpu.memory_space<vmem>>, %arg10: memref<1024xf32, #tpu.memory_space<vmem>>, %arg11: memref<1024xf32, #tpu.memory_space<vmem>>, %arg12: memref<1024xf32, #tpu.memory_space<vmem>>, %arg13: memref<1024xf32, #tpu.memory_space<vmem>>, %arg14: memref<1024xf32, #tpu.memory_space<vmem>>, %arg15: memref<1040xi32, #tpu.memory_space<vmem>>, %arg16: memref<4x4096xf32, #tpu.memory_space<vmem>>) attributes {dimension_semantics = [#tpu.dimension_semantics<core_parallel>, #tpu.dimension_semantics<subcore_parallel>], iteration_bounds = array<i64: 2, 16>, scalar_prefetch = 0 : i64, scratch_operands = 8 : i64, tpu.core_type = #tpu.core_type<sc_vector_subcore>, window_params = [{transform_indices = #map}, {transform_indices = #map}, {transform_indices = #map}, {transform_indices = #map}, {transform_indices = #map}, {transform_indices = #map}, {transform_indices = #map1}]} {
    %mul3A = arith.constant 2 : i32
    %mul3A_0 = arith.muli %arg1, %mul3A : i32
    %add3A = arith.addi %mul3A_0, %arg0 : i32
    %iota3A = tpu.iota {dimensions = array<i32: 0>} : vector<16xi32>
    %shift_right_logical3A = arith.constant 2 : i32
    %shift_right_logical3A_1 = vector.broadcast %shift_right_logical3A : i32 to vector<16xi32>
    %shift_right_logical3A_2 = arith.shrui %iota3A, %shift_right_logical3A_1 : vector<16xi32>
    %and3A = arith.constant 3 : i32
    %and3A_3 = vector.broadcast %and3A : i32 to vector<16xi32>
    %and3A_4 = arith.andi %iota3A, %and3A_3 : vector<16xi32>
    %broadcast_in_dim3A = arith.constant 0.000000e+00 : f32
    %broadcast_in_dim3A_5 = vector.broadcast %broadcast_in_dim3A : f32 to vector<16xf32>
    "tpu.region"() ({
      %run_scoped3A = tpu.sem_alloc : memref<!tpu.dma_semaphore, #tpu.memory_space<semaphore_mem>>
      tpu.enqueue_dma source(%arg6 : memref<6144xi32, #tpu.memory_space<hbm>>) target(%arg9 : memref<6144xi32, #tpu.memory_space<vmem>>) target_semaphore(%run_scoped3A : memref<!tpu.dma_semaphore, #tpu.memory_space<semaphore_mem>>)
      tpu.wait_dma2 semaphore(%run_scoped3A : memref<!tpu.dma_semaphore, #tpu.memory_space<semaphore_mem>>) src(%arg6 : memref<6144xi32, #tpu.memory_space<hbm>>) dst(%arg9 : memref<6144xi32, #tpu.memory_space<vmem>>)
      tpu.yield
    }) : () -> ()
    "tpu.region"() ({
      %run_scoped3A = tpu.sem_alloc : memref<!tpu.dma_semaphore, #tpu.memory_space<semaphore_mem>>
      tpu.enqueue_dma source(%arg7 : memref<1024xf32, #tpu.memory_space<hbm>>) target(%arg10 : memref<1024xf32, #tpu.memory_space<vmem>>) target_semaphore(%run_scoped3A : memref<!tpu.dma_semaphore, #tpu.memory_space<semaphore_mem>>)
      tpu.wait_dma2 semaphore(%run_scoped3A : memref<!tpu.dma_semaphore, #tpu.memory_space<semaphore_mem>>) src(%arg7 : memref<1024xf32, #tpu.memory_space<hbm>>) dst(%arg10 : memref<1024xf32, #tpu.memory_space<vmem>>)
      tpu.yield
    }) : () -> ()
    %scan3A = arith.constant 0 : i32
    %scan3A_6 = arith.constant 0 : i32
    %scan3A_7 = arith.constant 1024 : i32
    %scan3A_8 = arith.addi %scan3A_6, %scan3A_7 : i32
    %scan3A_9 = arith.constant 1 : i32
    %scan3A_10 = scf.for %scan3A_20 = %scan3A_6 to %scan3A_8 step %scan3A_9 iter_args(%scan3A_21 = %scan3A) -> (i32)  : i32 {
      %shift_right_logical3A_22 = arith.constant 8 : i32
      %shift_right_logical3A_23 = arith.shrui %scan3A_20, %shift_right_logical3A_22 : i32
      %broadcast_in_dim3A_24 = vector.broadcast %shift_right_logical3A_23 : i32 to vector<16xi32>
      %and3A_25 = arith.constant 255 : i32
      %and3A_26 = arith.andi %scan3A_20, %and3A_25 : i32
      %mul3A_27 = arith.constant 16 : i32
      %mul3A_28 = arith.muli %and3A_26, %mul3A_27 : i32
      %broadcast_in_dim3A_29 = vector.broadcast %mul3A_28 : i32 to vector<16xi32>
      %add3A_30 = arith.addi %broadcast_in_dim3A_29, %iota3A : vector<16xi32>
      tpu.vector_store_idx %arg16[%broadcast_in_dim3A_24, %add3A_30], %broadcast_in_dim3A_5 : memref<4x4096xf32, #tpu.memory_space<vmem>>[vector<16xi32>, vector<16xi32>], vector<16xf32>,
      %scan3A_31 = arith.constant 0 : i32
      scf.yield %scan3A_31 : i32
    }
    %scan3A_11 = arith.constant 1024 : i32
    %scan3A_12 = arith.constant 0 : i32
    %scan3A_13 = arith.constant -1 : i32
    %scan3A_14 = arith.constant 0 : i32
    %scan3A_15 = arith.constant 32 : i32
    %scan3A_16 = arith.addi %scan3A_14, %scan3A_15 : i32
    %scan3A_17 = arith.constant 1 : i32
    %scan3A_18:2 = scf.for %scan3A_20 = %scan3A_14 to %scan3A_16 step %scan3A_17 iter_args(%scan3A_21 = %scan3A_12, %scan3A_22 = %scan3A_13) -> (i32, i32)  : i32 {
      %mul3A_23 = arith.constant 32 : i32
      %mul3A_24 = arith.muli %add3A, %mul3A_23 : i32
      %add3A_25 = arith.addi %mul3A_24, %scan3A_20 : i32
      %ge3A = arith.constant 0 : i32
      %ge3A_26 = arith.cmpi sge, %scan3A_22, %ge3A : i32
      %convert_element_type3A = arith.extui %ge3A_26 : i1 to i32
      %cond3A = arith.constant 0 : i32
      %cond3A_27 = arith.cmpi ne, %convert_element_type3A, %cond3A : i32
      scf.if %cond3A_27 {
        %while3A_243 = arith.constant 0 : i32
        %while3A_244 = arith.constant 0 : i32
        %while3A_245 = arith.subi %scan3A_21, %while3A_243 : i32
        %while3A_246 = arith.addi %while3A_243, %while3A_245 : i32
        %while3A_247 = arith.constant 1 : i32
        %while3A_248 = arith.divsi %while3A_245, %while3A_247 : i32
        %while3A_249 = arith.muli %while3A_248, %while3A_247 : i32
        %while3A_250 = arith.addi %while3A_243, %while3A_249 : i32
        %while3A_251 = arith.constant 1 : i32
        %while3A_252 = scf.for %while3A_259 = %while3A_243 to %while3A_250 step %while3A_251 iter_args(%while3A_260 = %while3A_244) -> (i32)  : i32 {
          %broadcast_in_dim3A_261 = vector.broadcast %while3A_259 : i32 to vector<16xi32>
          %gather3A_262 = tpu.vector_load_idx %arg15[%broadcast_in_dim3A_261] : memref<1040xi32, #tpu.memory_space<vmem>>[vector<16xi32>], vector<16xi32>,
          %mul3A_263 = arith.constant 4 : i32
          %mul3A_264 = vector.broadcast %mul3A_263 : i32 to vector<16xi32>
          %mul3A_265 = arith.muli %gather3A_262, %mul3A_264 : vector<16xi32>
          %add3A_266 = arith.addi %mul3A_265, %and3A_4 : vector<16xi32>
          tpu.vector_store_idx %arg16[%shift_right_logical3A_2, %add3A_266], %broadcast_in_dim3A_5 : memref<4x4096xf32, #tpu.memory_space<vmem>>[vector<16xi32>, vector<16xi32>], vector<16xf32>,
          %while3A_267 = arith.constant 0 : i32
          scf.yield %while3A_267 : i32
        }
        %while3A_253 = arith.constant 1 : i32
        %while3A_254 = scf.for %while3A_259 = %while3A_250 to %while3A_246 step %while3A_253 iter_args(%while3A_260 = %while3A_252) -> (i32)  : i32 {
          %broadcast_in_dim3A_261 = vector.broadcast %while3A_259 : i32 to vector<16xi32>
          %gather3A_262 = tpu.vector_load_idx %arg15[%broadcast_in_dim3A_261] : memref<1040xi32, #tpu.memory_space<vmem>>[vector<16xi32>], vector<16xi32>,
          %mul3A_263 = arith.constant 4 : i32
          %mul3A_264 = vector.broadcast %mul3A_263 : i32 to vector<16xi32>
          %mul3A_265 = arith.muli %gather3A_262, %mul3A_264 : vector<16xi32>
          %add3A_266 = arith.addi %mul3A_265, %and3A_4 : vector<16xi32>
          tpu.vector_store_idx %arg16[%shift_right_logical3A_2, %add3A_266], %broadcast_in_dim3A_5 : memref<4x4096xf32, #tpu.memory_space<vmem>>[vector<16xi32>, vector<16xi32>], vector<16xf32>,
          %while3A_267 = arith.constant 0 : i32
          scf.yield %while3A_267 : i32
        }
        %mul3A_255 = arith.constant 4 : i32
        %mul3A_256 = arith.muli %scan3A_22, %mul3A_255 : i32
        %broadcast_in_dim3A_257 = vector.broadcast %mul3A_256 : i32 to vector<16xi32>
        %add3A_258 = arith.addi %broadcast_in_dim3A_257, %and3A_4 : vector<16xi32>
        tpu.vector_store_idx %arg16[%shift_right_logical3A_2, %add3A_258], %broadcast_in_dim3A_5 : memref<4x4096xf32, #tpu.memory_space<vmem>>[vector<16xi32>, vector<16xi32>], vector<16xf32>,
      } else {
      }
      %mul3A_28 = arith.constant 1024 : i32
      %mul3A_29 = arith.muli %add3A_25, %mul3A_28 : i32
      "tpu.region"() ({
        %run_scoped3A = tpu.sem_alloc : memref<!tpu.dma_semaphore, #tpu.memory_space<semaphore_mem>>
        %dma_start3A = tpu.memref_slice %arg2[%mul3A_29] : memref<1048576xf32, #tpu.memory_space<hbm>> -> memref<1024xf32, #tpu.memory_space<hbm>>
        %dma_start3A_243 = tpu.memref_slice %arg2[%mul3A_29] : memref<1048576xf32, #tpu.memory_space<hbm>> -> memref<1024xf32, #tpu.memory_space<hbm>>
        tpu.enqueue_dma source(%dma_start3A_243 : memref<1024xf32, #tpu.memory_space<hbm>>) target(%arg11 : memref<1024xf32, #tpu.memory_space<vmem>>) target_semaphore(%run_scoped3A : memref<!tpu.dma_semaphore, #tpu.memory_space<semaphore_mem>>)
        %dma_wait3A = tpu.memref_slice %arg2[%mul3A_29] : memref<1048576xf32, #tpu.memory_space<hbm>> -> memref<1024xf32, #tpu.memory_space<hbm>>
        %dma_wait3A_244 = tpu.memref_slice %arg2[%mul3A_29] : memref<1048576xf32, #tpu.memory_space<hbm>> -> memref<1024xf32, #tpu.memory_space<hbm>>
        tpu.wait_dma2 semaphore(%run_scoped3A : memref<!tpu.dma_semaphore, #tpu.memory_space<semaphore_mem>>) src(%dma_wait3A_244 : memref<1024xf32, #tpu.memory_space<hbm>>) dst(%arg11 : memref<1024xf32, #tpu.memory_space<vmem>>)
        tpu.yield
      }) : () -> ()
      %scan3A_30 = arith.constant 0 : i32
      %scan3A_31 = arith.constant 0 : i32
      %scan3A_32 = arith.constant 64 : i32
      %scan3A_33 = arith.addi %scan3A_31, %scan3A_32 : i32
      %scan3A_34 = arith.constant 1 : i32
      %scan3A_35 = scf.for %scan3A_243 = %scan3A_31 to %scan3A_33 step %scan3A_34 iter_args(%scan3A_244 = %scan3A_30) -> (i32)  : i32 {
        %mul3A_245 = arith.constant 16 : i32
        %mul3A_246 = arith.muli %scan3A_243, %mul3A_245 : i32
        %broadcast_in_dim3A_247 = vector.broadcast %mul3A_246 : i32 to vector<16xi32>
        %iota3A_248 = tpu.iota {dimensions = array<i32: 0>} : vector<16xi32>
        %add3A_249 = arith.addi %broadcast_in_dim3A_247, %iota3A_248 : vector<16xi32>
        %gather3A_250 = tpu.vector_load_idx %arg11[%add3A_249] : memref<1024xf32, #tpu.memory_space<vmem>>[vector<16xi32>], vector<16xf32>,
        %ne3A_251 = arith.constant 0.000000e+00 : f32
        %ne3A_252 = vector.broadcast %ne3A_251 : f32 to vector<16xf32>
        %ne3A_253 = arith.cmpf one, %gather3A_250, %ne3A_252 : vector<16xf32>
        %convert_element_type3A_254 = arith.extui %ne3A_253 : vector<16xi1> to vector<16xi32>
        %broadcast_in_dim3A_255 = arith.constant true
        %broadcast_in_dim3A_256 = vector.broadcast %broadcast_in_dim3A_255 : i1 to vector<16xi1>
        %masked_cumsum3A = tpu.scan <sum>, %convert_element_type3A_254 masked %broadcast_in_dim3A_256 : vector<16xi32>, vector<16xi1> -> vector<16xi32>
        %broadcast_in_dim3A_257 = vector.broadcast %scan3A_244 : i32 to vector<16xi32>
        %add3A_258 = arith.addi %broadcast_in_dim3A_257, %masked_cumsum3A : vector<16xi32>
        %sub3A_259 = arith.constant 1 : i32
        %sub3A_260 = vector.broadcast %sub3A_259 : i32 to vector<16xi32>
        %sub3A_261 = arith.subi %add3A_258, %sub3A_260 : vector<16xi32>
        %mul3A_262 = arith.constant 16 : i32
        %mul3A_263 = arith.muli %scan3A_243, %mul3A_262 : i32
        %broadcast_in_dim3A_264 = vector.broadcast %mul3A_263 : i32 to vector<16xi32>
        %add3A_265 = arith.addi %broadcast_in_dim3A_264, %iota3A : vector<16xi32>
        tpu.vector_store_idx %arg15[%sub3A_261], %add3A_265 masked %ne3A_253 : memref<1040xi32, #tpu.memory_space<vmem>>[vector<16xi32>], vector<16xi32>, vector<16xi1>
        %reduce_sum3A_266 = arith.constant true
        %reduce_sum3A_267 = vector.broadcast %reduce_sum3A_266 : i1 to vector<16xi1>
        %reduce_sum3A_268 = tpu.scan <sum>, %convert_element_type3A_254 masked %reduce_sum3A_267 : vector<16xi32>, vector<16xi1> -> vector<16xi32>
        %reduce_sum3A_269 = vector.extract %reduce_sum3A_268[15] : i32 from vector<16xi32>
        %add3A_270 = arith.addi %scan3A_244, %reduce_sum3A_269 : i32
        scf.yield %add3A_270 : i32
      }
      %scan3A_36 = arith.constant 64 : i32
      %broadcast_in_dim3A_37 = vector.broadcast %add3A_25 : i32 to vector<16xi32>
      %gather3A = tpu.vector_load_idx %arg9[%broadcast_in_dim3A_37] : memref<6144xi32, #tpu.memory_space<vmem>>[vector<16xi32>], vector<16xi32>,
      %iota3A_38 = tpu.iota {dimensions = array<i32: 0>} : vector<16xi32>
      %eq3A = arith.constant 0 : i32
      %eq3A_39 = vector.broadcast %eq3A : i32 to vector<16xi32>
      %eq3A_40 = arith.cmpi eq, %iota3A_38, %eq3A_39 : vector<16xi32>
      %jit3A = arith.constant 0 : i32
      %broadcast_in_dim3A_41 = vector.broadcast %jit3A : i32 to vector<16xi32>
      %select_n3A = arith.select %eq3A_40, %gather3A, %broadcast_in_dim3A_41 : vector<16xi1>, vector<16xi32>
      %reduce_sum3A = arith.constant true
      %reduce_sum3A_42 = vector.broadcast %reduce_sum3A : i1 to vector<16xi1>
      %reduce_sum3A_43 = tpu.scan <sum>, %select_n3A masked %reduce_sum3A_42 : vector<16xi32>, vector<16xi1> -> vector<16xi32>
      %reduce_sum3A_44 = vector.extract %reduce_sum3A_43[15] : i32 from vector<16xi32>
      %add3A_45 = arith.constant 1024 : i32
      %add3A_46 = arith.addi %add3A_45, %add3A_25 : i32
      %broadcast_in_dim3A_47 = vector.broadcast %add3A_46 : i32 to vector<16xi32>
      %gather3A_48 = tpu.vector_load_idx %arg9[%broadcast_in_dim3A_47] : memref<6144xi32, #tpu.memory_space<vmem>>[vector<16xi32>], vector<16xi32>,
      %iota3A_49 = tpu.iota {dimensions = array<i32: 0>} : vector<16xi32>
      %eq3A_50 = arith.constant 0 : i32
      %eq3A_51 = vector.broadcast %eq3A_50 : i32 to vector<16xi32>
      %eq3A_52 = arith.cmpi eq, %iota3A_49, %eq3A_51 : vector<16xi32>
      %jit3A_53 = arith.constant 0 : i32
      %broadcast_in_dim3A_54 = vector.broadcast %jit3A_53 : i32 to vector<16xi32>
      %select_n3A_55 = arith.select %eq3A_52, %gather3A_48, %broadcast_in_dim3A_54 : vector<16xi1>, vector<16xi32>
      %reduce_sum3A_56 = arith.constant true
      %reduce_sum3A_57 = vector.broadcast %reduce_sum3A_56 : i1 to vector<16xi1>
      %reduce_sum3A_58 = tpu.scan <sum>, %select_n3A_55 masked %reduce_sum3A_57 : vector<16xi32>, vector<16xi1> -> vector<16xi32>
      %reduce_sum3A_59 = vector.extract %reduce_sum3A_58[15] : i32 from vector<16xi32>
      %add3A_60 = arith.constant 2048 : i32
      %add3A_61 = arith.addi %add3A_60, %add3A_25 : i32
      %broadcast_in_dim3A_62 = vector.broadcast %add3A_61 : i32 to vector<16xi32>
      %gather3A_63 = tpu.vector_load_idx %arg9[%broadcast_in_dim3A_62] : memref<6144xi32, #tpu.memory_space<vmem>>[vector<16xi32>], vector<16xi32>,
      %iota3A_64 = tpu.iota {dimensions = array<i32: 0>} : vector<16xi32>
      %eq3A_65 = arith.constant 0 : i32
      %eq3A_66 = vector.broadcast %eq3A_65 : i32 to vector<16xi32>
      %eq3A_67 = arith.cmpi eq, %iota3A_64, %eq3A_66 : vector<16xi32>
      %jit3A_68 = arith.constant 0 : i32
      %broadcast_in_dim3A_69 = vector.broadcast %jit3A_68 : i32 to vector<16xi32>
      %select_n3A_70 = arith.select %eq3A_67, %gather3A_63, %broadcast_in_dim3A_69 : vector<16xi1>, vector<16xi32>
      %reduce_sum3A_71 = arith.constant true
      %reduce_sum3A_72 = vector.broadcast %reduce_sum3A_71 : i1 to vector<16xi1>
      %reduce_sum3A_73 = tpu.scan <sum>, %select_n3A_70 masked %reduce_sum3A_72 : vector<16xi32>, vector<16xi1> -> vector<16xi32>
      %reduce_sum3A_74 = vector.extract %reduce_sum3A_73[15] : i32 from vector<16xi32>
      %add3A_75 = arith.constant 3072 : i32
      %add3A_76 = arith.addi %add3A_75, %add3A_25 : i32
      %broadcast_in_dim3A_77 = vector.broadcast %add3A_76 : i32 to vector<16xi32>
      %gather3A_78 = tpu.vector_load_idx %arg9[%broadcast_in_dim3A_77] : memref<6144xi32, #tpu.memory_space<vmem>>[vector<16xi32>], vector<16xi32>,
      %iota3A_79 = tpu.iota {dimensions = array<i32: 0>} : vector<16xi32>
      %eq3A_80 = arith.constant 0 : i32
      %eq3A_81 = vector.broadcast %eq3A_80 : i32 to vector<16xi32>
      %eq3A_82 = arith.cmpi eq, %iota3A_79, %eq3A_81 : vector<16xi32>
      %jit3A_83 = arith.constant 0 : i32
      %broadcast_in_dim3A_84 = vector.broadcast %jit3A_83 : i32 to vector<16xi32>
      %select_n3A_85 = arith.select %eq3A_82, %gather3A_78, %broadcast_in_dim3A_84 : vector<16xi1>, vector<16xi32>
      %reduce_sum3A_86 = arith.constant true
      %reduce_sum3A_87 = vector.broadcast %reduce_sum3A_86 : i1 to vector<16xi1>
      %reduce_sum3A_88 = tpu.scan <sum>, %select_n3A_85 masked %reduce_sum3A_87 : vector<16xi32>, vector<16xi1> -> vector<16xi32>
      %reduce_sum3A_89 = vector.extract %reduce_sum3A_88[15] : i32 from vector<16xi32>
      %add3A_90 = arith.constant 4096 : i32
      %add3A_91 = arith.addi %add3A_90, %add3A_25 : i32
      %broadcast_in_dim3A_92 = vector.broadcast %add3A_91 : i32 to vector<16xi32>
      %gather3A_93 = tpu.vector_load_idx %arg9[%broadcast_in_dim3A_92] : memref<6144xi32, #tpu.memory_space<vmem>>[vector<16xi32>], vector<16xi32>,
      %iota3A_94 = tpu.iota {dimensions = array<i32: 0>} : vector<16xi32>
      %eq3A_95 = arith.constant 0 : i32
      %eq3A_96 = vector.broadcast %eq3A_95 : i32 to vector<16xi32>
      %eq3A_97 = arith.cmpi eq, %iota3A_94, %eq3A_96 : vector<16xi32>
      %jit3A_98 = arith.constant 0 : i32
      %broadcast_in_dim3A_99 = vector.broadcast %jit3A_98 : i32 to vector<16xi32>
      %select_n3A_100 = arith.select %eq3A_97, %gather3A_93, %broadcast_in_dim3A_99 : vector<16xi1>, vector<16xi32>
      %reduce_sum3A_101 = arith.constant true
      %reduce_sum3A_102 = vector.broadcast %reduce_sum3A_101 : i1 to vector<16xi1>
      %reduce_sum3A_103 = tpu.scan <sum>, %select_n3A_100 masked %reduce_sum3A_102 : vector<16xi32>, vector<16xi1> -> vector<16xi32>
      %reduce_sum3A_104 = vector.extract %reduce_sum3A_103[15] : i32 from vector<16xi32>
      %add3A_105 = arith.constant 5120 : i32
      %add3A_106 = arith.addi %add3A_105, %add3A_25 : i32
      %broadcast_in_dim3A_107 = vector.broadcast %add3A_106 : i32 to vector<16xi32>
      %gather3A_108 = tpu.vector_load_idx %arg9[%broadcast_in_dim3A_107] : memref<6144xi32, #tpu.memory_space<vmem>>[vector<16xi32>], vector<16xi32>,
      %iota3A_109 = tpu.iota {dimensions = array<i32: 0>} : vector<16xi32>
      %eq3A_110 = arith.constant 0 : i32
      %eq3A_111 = vector.broadcast %eq3A_110 : i32 to vector<16xi32>
      %eq3A_112 = arith.cmpi eq, %iota3A_109, %eq3A_111 : vector<16xi32>
      %jit3A_113 = arith.constant 0 : i32
      %broadcast_in_dim3A_114 = vector.broadcast %jit3A_113 : i32 to vector<16xi32>
      %select_n3A_115 = arith.select %eq3A_112, %gather3A_108, %broadcast_in_dim3A_114 : vector<16xi1>, vector<16xi32>
      %reduce_sum3A_116 = arith.constant true
      %reduce_sum3A_117 = vector.broadcast %reduce_sum3A_116 : i1 to vector<16xi1>
      %reduce_sum3A_118 = tpu.scan <sum>, %select_n3A_115 masked %reduce_sum3A_117 : vector<16xi32>, vector<16xi1> -> vector<16xi32>
      %reduce_sum3A_119 = vector.extract %reduce_sum3A_118[15] : i32 from vector<16xi32>
      %broadcast_in_dim3A_120 = vector.broadcast %add3A_25 : i32 to vector<16xi32>
      %gather3A_121 = tpu.vector_load_idx %arg10[%broadcast_in_dim3A_120] : memref<1024xf32, #tpu.memory_space<vmem>>[vector<16xi32>], vector<16xf32>,
      %add3A_122 = arith.constant 64 : i32
      %add3A_123 = arith.addi %reduce_sum3A_59, %add3A_122 : i32
      %sub3A = arith.constant 1 : i32
      %sub3A_124 = arith.subi %add3A_123, %sub3A : i32
      %jit3A_125 = arith.constant 64 : i32
      %div3A = arith.divsi %sub3A_124, %jit3A_125 : i32
      %sign3A = arith.constant 0 : i32
      %sign3A_126 = arith.cmpi sgt, %sub3A_124, %sign3A : i32
      %sign3A_127 = arith.extui %sign3A_126 : i1 to i32
      %sign3A_128 = arith.constant 0 : i32
      %sign3A_129 = arith.cmpi slt, %sub3A_124, %sign3A_128 : i32
      %sign3A_130 = arith.extui %sign3A_129 : i1 to i32
      %sign3A_131 = arith.subi %sign3A_127, %sign3A_130 : i32
      %sign3A_132 = arith.constant 0 : i32
      %sign3A_133 = arith.cmpi sgt, %jit3A_125, %sign3A_132 : i32
      %sign3A_134 = arith.extui %sign3A_133 : i1 to i32
      %sign3A_135 = arith.constant 0 : i32
      %sign3A_136 = arith.cmpi slt, %jit3A_125, %sign3A_135 : i32
      %sign3A_137 = arith.extui %sign3A_136 : i1 to i32
      %sign3A_138 = arith.subi %sign3A_134, %sign3A_137 : i32
      %ne3A = arith.cmpi ne, %sign3A_131, %sign3A_138 : i32
      %rem3A = arith.remsi %sub3A_124, %jit3A_125 : i32
      %ne3A_139 = arith.constant 0 : i32
      %ne3A_140 = arith.cmpi ne, %rem3A, %ne3A_139 : i32
      %and3A_141 = arith.andi %ne3A, %ne3A_140 : i1
      %sub3A_142 = arith.constant 1 : i32
      %sub3A_143 = arith.subi %div3A, %sub3A_142 : i32
      %select_n3A_144 = arith.select %and3A_141, %sub3A_143, %div3A : i32
      %while3A = arith.constant 0 : i32
      %while3A_145 = arith.subi %select_n3A_144, %while3A : i32
      %while3A_146 = arith.addi %while3A, %while3A_145 : i32
      %while3A_147 = arith.constant 1 : i32
      %while3A_148 = arith.divsi %while3A_145, %while3A_147 : i32
      %while3A_149 = arith.muli %while3A_148, %while3A_147 : i32
      %while3A_150 = arith.addi %while3A, %while3A_149 : i32
      %while3A_151 = arith.constant 1 : i32
      %while3A_152 = scf.for %while3A_243 = %while3A to %while3A_150 step %while3A_151 iter_args(%while3A_244 = %broadcast_in_dim3A_5) -> (vector<16xf32>)  : i32 {
        %mul3A_245 = arith.constant 64 : i32
        %mul3A_246 = arith.muli %while3A_243, %mul3A_245 : i32
        %add3A_247 = arith.addi %reduce_sum3A_44, %mul3A_246 : i32
        %mul3A_248 = arith.constant 16 : i32
        %mul3A_249 = arith.muli %add3A_247, %mul3A_248 : i32
        "tpu.region"() ({
          %run_scoped3A = tpu.sem_alloc : memref<!tpu.dma_semaphore, #tpu.memory_space<semaphore_mem>>
          %dma_start3A = tpu.memref_slice %arg5[%mul3A_249] : memref<263168xf32, #tpu.memory_space<hbm>> -> memref<1024xf32, #tpu.memory_space<hbm>>
          %dma_start3A_265 = tpu.memref_slice %arg5[%mul3A_249] : memref<263168xf32, #tpu.memory_space<hbm>> -> memref<1024xf32, #tpu.memory_space<hbm>>
          tpu.enqueue_dma source(%dma_start3A_265 : memref<1024xf32, #tpu.memory_space<hbm>>) target(%arg12 : memref<1024xf32, #tpu.memory_space<vmem>>) target_semaphore(%run_scoped3A : memref<!tpu.dma_semaphore, #tpu.memory_space<semaphore_mem>>)
          %dma_wait3A = tpu.memref_slice %arg5[%mul3A_249] : memref<263168xf32, #tpu.memory_space<hbm>> -> memref<1024xf32, #tpu.memory_space<hbm>>
          %dma_wait3A_266 = tpu.memref_slice %arg5[%mul3A_249] : memref<263168xf32, #tpu.memory_space<hbm>> -> memref<1024xf32, #tpu.memory_space<hbm>>
          tpu.wait_dma2 semaphore(%run_scoped3A : memref<!tpu.dma_semaphore, #tpu.memory_space<semaphore_mem>>) src(%dma_wait3A_266 : memref<1024xf32, #tpu.memory_space<hbm>>) dst(%arg12 : memref<1024xf32, #tpu.memory_space<vmem>>)
          tpu.yield
        }) : () -> ()
        %mul3A_250 = arith.constant 64 : i32
        %mul3A_251 = arith.muli %while3A_243, %mul3A_250 : i32
        %sub3A_252 = arith.subi %reduce_sum3A_59, %mul3A_251 : i32
        %min3A = arith.constant 64 : i32
        %min3A_253 = arith.minsi %min3A, %sub3A_252 : i32
        %while3A_254 = arith.constant 0 : i32
        %while3A_255 = arith.subi %min3A_253, %while3A_254 : i32
        %while3A_256 = arith.addi %while3A_254, %while3A_255 : i32
        %while3A_257 = arith.constant 1 : i32
        %while3A_258 = arith.divsi %while3A_255, %while3A_257 : i32
        %while3A_259 = arith.muli %while3A_258, %while3A_257 : i32
        %while3A_260 = arith.addi %while3A_254, %while3A_259 : i32
        %while3A_261 = arith.constant 1 : i32
        %while3A_262 = scf.for %while3A_265 = %while3A_254 to %while3A_260 step %while3A_261 iter_args(%while3A_266 = %while3A_244) -> (vector<16xf32>)  : i32 {
          %mul3A_267 = arith.constant 16 : i32
          %mul3A_268 = arith.muli %while3A_265, %mul3A_267 : i32
          %broadcast_in_dim3A_269 = vector.broadcast %mul3A_268 : i32 to vector<16xi32>
          %iota3A_270 = tpu.iota {dimensions = array<i32: 0>} : vector<16xi32>
          %add3A_271 = arith.addi %broadcast_in_dim3A_269, %iota3A_270 : vector<16xi32>
          %gather3A_272 = tpu.vector_load_idx %arg12[%add3A_271] : memref<1024xf32, #tpu.memory_space<vmem>>[vector<16xi32>], vector<16xf32>,
          %add3A_273 = arith.addf %while3A_266, %gather3A_272 : vector<16xf32>
          scf.yield %add3A_273 : vector<16xf32>
        }
        %while3A_263 = arith.constant 1 : i32
        %while3A_264 = scf.for %while3A_265 = %while3A_260 to %while3A_256 step %while3A_263 iter_args(%while3A_266 = %while3A_262) -> (vector<16xf32>)  : i32 {
          %mul3A_267 = arith.constant 16 : i32
          %mul3A_268 = arith.muli %while3A_265, %mul3A_267 : i32
          %broadcast_in_dim3A_269 = vector.broadcast %mul3A_268 : i32 to vector<16xi32>
          %iota3A_270 = tpu.iota {dimensions = array<i32: 0>} : vector<16xi32>
          %add3A_271 = arith.addi %broadcast_in_dim3A_269, %iota3A_270 : vector<16xi32>
          %gather3A_272 = tpu.vector_load_idx %arg12[%add3A_271] : memref<1024xf32, #tpu.memory_space<vmem>>[vector<16xi32>], vector<16xf32>,
          %add3A_273 = arith.addf %while3A_266, %gather3A_272 : vector<16xf32>
          scf.yield %add3A_273 : vector<16xf32>
        }
        scf.yield %while3A_264 : vector<16xf32>
      }
      %while3A_153 = arith.constant 1 : i32
      %while3A_154 = scf.for %while3A_243 = %while3A_150 to %while3A_146 step %while3A_153 iter_args(%while3A_244 = %while3A_152) -> (vector<16xf32>)  : i32 {
        %mul3A_245 = arith.constant 64 : i32
        %mul3A_246 = arith.muli %while3A_243, %mul3A_245 : i32
        %add3A_247 = arith.addi %reduce_sum3A_44, %mul3A_246 : i32
        %mul3A_248 = arith.constant 16 : i32
        %mul3A_249 = arith.muli %add3A_247, %mul3A_248 : i32
        "tpu.region"() ({
          %run_scoped3A = tpu.sem_alloc : memref<!tpu.dma_semaphore, #tpu.memory_space<semaphore_mem>>
          %dma_start3A = tpu.memref_slice %arg5[%mul3A_249] : memref<263168xf32, #tpu.memory_space<hbm>> -> memref<1024xf32, #tpu.memory_space<hbm>>
          %dma_start3A_265 = tpu.memref_slice %arg5[%mul3A_249] : memref<263168xf32, #tpu.memory_space<hbm>> -> memref<1024xf32, #tpu.memory_space<hbm>>
          tpu.enqueue_dma source(%dma_start3A_265 : memref<1024xf32, #tpu.memory_space<hbm>>) target(%arg12 : memref<1024xf32, #tpu.memory_space<vmem>>) target_semaphore(%run_scoped3A : memref<!tpu.dma_semaphore, #tpu.memory_space<semaphore_mem>>)
          %dma_wait3A = tpu.memref_slice %arg5[%mul3A_249] : memref<263168xf32, #tpu.memory_space<hbm>> -> memref<1024xf32, #tpu.memory_space<hbm>>
          %dma_wait3A_266 = tpu.memref_slice %arg5[%mul3A_249] : memref<263168xf32, #tpu.memory_space<hbm>> -> memref<1024xf32, #tpu.memory_space<hbm>>
          tpu.wait_dma2 semaphore(%run_scoped3A : memref<!tpu.dma_semaphore, #tpu.memory_space<semaphore_mem>>) src(%dma_wait3A_266 : memref<1024xf32, #tpu.memory_space<hbm>>) dst(%arg12 : memref<1024xf32, #tpu.memory_space<vmem>>)
          tpu.yield
        }) : () -> ()
        %mul3A_250 = arith.constant 64 : i32
        %mul3A_251 = arith.muli %while3A_243, %mul3A_250 : i32
        %sub3A_252 = arith.subi %reduce_sum3A_59, %mul3A_251 : i32
        %min3A = arith.constant 64 : i32
        %min3A_253 = arith.minsi %min3A, %sub3A_252 : i32
        %while3A_254 = arith.constant 0 : i32
        %while3A_255 = arith.subi %min3A_253, %while3A_254 : i32
        %while3A_256 = arith.addi %while3A_254, %while3A_255 : i32
        %while3A_257 = arith.constant 1 : i32
        %while3A_258 = arith.divsi %while3A_255, %while3A_257 : i32
        %while3A_259 = arith.muli %while3A_258, %while3A_257 : i32
        %while3A_260 = arith.addi %while3A_254, %while3A_259 : i32
        %while3A_261 = arith.constant 1 : i32
        %while3A_262 = scf.for %while3A_265 = %while3A_254 to %while3A_260 step %while3A_261 iter_args(%while3A_266 = %while3A_244) -> (vector<16xf32>)  : i32 {
          %mul3A_267 = arith.constant 16 : i32
          %mul3A_268 = arith.muli %while3A_265, %mul3A_267 : i32
          %broadcast_in_dim3A_269 = vector.broadcast %mul3A_268 : i32 to vector<16xi32>
          %iota3A_270 = tpu.iota {dimensions = array<i32: 0>} : vector<16xi32>
          %add3A_271 = arith.addi %broadcast_in_dim3A_269, %iota3A_270 : vector<16xi32>
          %gather3A_272 = tpu.vector_load_idx %arg12[%add3A_271] : memref<1024xf32, #tpu.memory_space<vmem>>[vector<16xi32>], vector<16xf32>,
          %add3A_273 = arith.addf %while3A_266, %gather3A_272 : vector<16xf32>
          scf.yield %add3A_273 : vector<16xf32>
        }
        %while3A_263 = arith.constant 1 : i32
        %while3A_264 = scf.for %while3A_265 = %while3A_260 to %while3A_256 step %while3A_263 iter_args(%while3A_266 = %while3A_262) -> (vector<16xf32>)  : i32 {
          %mul3A_267 = arith.constant 16 : i32
          %mul3A_268 = arith.muli %while3A_265, %mul3A_267 : i32
          %broadcast_in_dim3A_269 = vector.broadcast %mul3A_268 : i32 to vector<16xi32>
          %iota3A_270 = tpu.iota {dimensions = array<i32: 0>} : vector<16xi32>
          %add3A_271 = arith.addi %broadcast_in_dim3A_269, %iota3A_270 : vector<16xi32>
          %gather3A_272 = tpu.vector_load_idx %arg12[%add3A_271] : memref<1024xf32, #tpu.memory_space<vmem>>[vector<16xi32>], vector<16xf32>,
          %add3A_273 = arith.addf %while3A_266, %gather3A_272 : vector<16xf32>
          scf.yield %add3A_273 : vector<16xf32>
        }
        scf.yield %while3A_264 : vector<16xf32>
      }
      %mul3A_155 = arith.constant 4 : i32
      %mul3A_156 = arith.muli %add3A_25, %mul3A_155 : i32
      %broadcast_in_dim3A_157 = vector.broadcast %mul3A_156 : i32 to vector<16xi32>
      %add3A_158 = arith.addi %broadcast_in_dim3A_157, %and3A_4 : vector<16xi32>
      %mul3A_159 = arith.mulf %while3A_154, %gather3A_121 : vector<16xf32>
      %mul3A_160 = arith.mulf %mul3A_159, %gather3A_121 : vector<16xf32>
      tpu.vector_store_idx %arg16[%shift_right_logical3A_2, %add3A_158], %mul3A_160 : memref<4x4096xf32, #tpu.memory_space<vmem>>[vector<16xi32>, vector<16xi32>], vector<16xf32>,
      %add3A_161 = arith.constant 64 : i32
      %add3A_162 = arith.addi %reduce_sum3A_119, %add3A_161 : i32
      %sub3A_163 = arith.constant 1 : i32
      %sub3A_164 = arith.subi %add3A_162, %sub3A_163 : i32
      %jit3A_165 = arith.constant 64 : i32
      %div3A_166 = arith.divsi %sub3A_164, %jit3A_165 : i32
      %sign3A_167 = arith.constant 0 : i32
      %sign3A_168 = arith.cmpi sgt, %sub3A_164, %sign3A_167 : i32
      %sign3A_169 = arith.extui %sign3A_168 : i1 to i32
      %sign3A_170 = arith.constant 0 : i32
      %sign3A_171 = arith.cmpi slt, %sub3A_164, %sign3A_170 : i32
      %sign3A_172 = arith.extui %sign3A_171 : i1 to i32
      %sign3A_173 = arith.subi %sign3A_169, %sign3A_172 : i32
      %sign3A_174 = arith.constant 0 : i32
      %sign3A_175 = arith.cmpi sgt, %jit3A_165, %sign3A_174 : i32
      %sign3A_176 = arith.extui %sign3A_175 : i1 to i32
      %sign3A_177 = arith.constant 0 : i32
      %sign3A_178 = arith.cmpi slt, %jit3A_165, %sign3A_177 : i32
      %sign3A_179 = arith.extui %sign3A_178 : i1 to i32
      %sign3A_180 = arith.subi %sign3A_176, %sign3A_179 : i32
      %ne3A_181 = arith.cmpi ne, %sign3A_173, %sign3A_180 : i32
      %rem3A_182 = arith.remsi %sub3A_164, %jit3A_165 : i32
      %ne3A_183 = arith.constant 0 : i32
      %ne3A_184 = arith.cmpi ne, %rem3A_182, %ne3A_183 : i32
      %and3A_185 = arith.andi %ne3A_181, %ne3A_184 : i1
      %sub3A_186 = arith.constant 1 : i32
      %sub3A_187 = arith.subi %div3A_166, %sub3A_186 : i32
      %select_n3A_188 = arith.select %and3A_185, %sub3A_187, %div3A_166 : i32
      %while3A_189 = arith.constant 0 : i32
      %while3A_190 = arith.constant 0 : i32
      %while3A_191 = arith.subi %select_n3A_188, %while3A_189 : i32
      %while3A_192 = arith.addi %while3A_189, %while3A_191 : i32
      %while3A_193 = arith.constant 1 : i32
      %while3A_194 = arith.divsi %while3A_191, %while3A_193 : i32
      %while3A_195 = arith.muli %while3A_194, %while3A_193 : i32
      %while3A_196 = arith.addi %while3A_189, %while3A_195 : i32
      %while3A_197 = arith.constant 1 : i32
      %while3A_198 = scf.for %while3A_243 = %while3A_189 to %while3A_196 step %while3A_197 iter_args(%while3A_244 = %while3A_190) -> (i32)  : i32 {
        %mul3A_245 = arith.constant 64 : i32
        %mul3A_246 = arith.muli %while3A_243, %mul3A_245 : i32
        %add3A_247 = arith.addi %reduce_sum3A_104, %mul3A_246 : i32
        %mul3A_248 = arith.constant 16 : i32
        %mul3A_249 = arith.muli %add3A_247, %mul3A_248 : i32
        "tpu.region"() ({
          %run_scoped3A = tpu.sem_alloc : memref<!tpu.dma_semaphore, #tpu.memory_space<semaphore_mem>>
          %dma_start3A = tpu.memref_slice %arg4[%mul3A_249] : memref<132096xf32, #tpu.memory_space<hbm>> -> memref<1024xf32, #tpu.memory_space<hbm>>
          %dma_start3A_267 = tpu.memref_slice %arg4[%mul3A_249] : memref<132096xf32, #tpu.memory_space<hbm>> -> memref<1024xf32, #tpu.memory_space<hbm>>
          tpu.enqueue_dma source(%dma_start3A_267 : memref<1024xf32, #tpu.memory_space<hbm>>) target(%arg14 : memref<1024xf32, #tpu.memory_space<vmem>>) target_semaphore(%run_scoped3A : memref<!tpu.dma_semaphore, #tpu.memory_space<semaphore_mem>>)
          %dma_wait3A = tpu.memref_slice %arg4[%mul3A_249] : memref<132096xf32, #tpu.memory_space<hbm>> -> memref<1024xf32, #tpu.memory_space<hbm>>
          %dma_wait3A_268 = tpu.memref_slice %arg4[%mul3A_249] : memref<132096xf32, #tpu.memory_space<hbm>> -> memref<1024xf32, #tpu.memory_space<hbm>>
          tpu.wait_dma2 semaphore(%run_scoped3A : memref<!tpu.dma_semaphore, #tpu.memory_space<semaphore_mem>>) src(%dma_wait3A_268 : memref<1024xf32, #tpu.memory_space<hbm>>) dst(%arg14 : memref<1024xf32, #tpu.memory_space<vmem>>)
          tpu.yield
        }) : () -> ()
        %mul3A_250 = arith.constant 64 : i32
        %mul3A_251 = arith.muli %while3A_243, %mul3A_250 : i32
        %sub3A_252 = arith.subi %reduce_sum3A_119, %mul3A_251 : i32
        %min3A = arith.constant 64 : i32
        %min3A_253 = arith.minsi %min3A, %sub3A_252 : i32
        %while3A_254 = arith.constant 0 : i32
        %while3A_255 = arith.constant 0 : i32
        %while3A_256 = arith.subi %min3A_253, %while3A_254 : i32
        %while3A_257 = arith.addi %while3A_254, %while3A_256 : i32
        %while3A_258 = arith.constant 1 : i32
        %while3A_259 = arith.divsi %while3A_256, %while3A_258 : i32
        %while3A_260 = arith.muli %while3A_259, %while3A_258 : i32
        %while3A_261 = arith.addi %while3A_254, %while3A_260 : i32
        %while3A_262 = arith.constant 1 : i32
        %while3A_263 = scf.for %while3A_267 = %while3A_254 to %while3A_261 step %while3A_262 iter_args(%while3A_268 = %while3A_255) -> (i32)  : i32 {
          %mul3A_269 = arith.constant 64 : i32
          %mul3A_270 = arith.muli %while3A_243, %mul3A_269 : i32
          %add3A_271 = arith.addi %mul3A_270, %while3A_267 : i32
          %broadcast_in_dim3A_272 = vector.broadcast %add3A_271 : i32 to vector<16xi32>
          %gather3A_273 = tpu.vector_load_idx %arg15[%broadcast_in_dim3A_272] : memref<1040xi32, #tpu.memory_space<vmem>>[vector<16xi32>], vector<16xi32>,
          %mul3A_274 = arith.constant 16 : i32
          %mul3A_275 = arith.muli %while3A_267, %mul3A_274 : i32
          %broadcast_in_dim3A_276 = vector.broadcast %mul3A_275 : i32 to vector<16xi32>
          %iota3A_277 = tpu.iota {dimensions = array<i32: 0>} : vector<16xi32>
          %add3A_278 = arith.addi %broadcast_in_dim3A_276, %iota3A_277 : vector<16xi32>
          %gather3A_279 = tpu.vector_load_idx %arg14[%add3A_278] : memref<1024xf32, #tpu.memory_space<vmem>>[vector<16xi32>], vector<16xf32>,
          %mul3A_280 = arith.constant 4 : i32
          %mul3A_281 = vector.broadcast %mul3A_280 : i32 to vector<16xi32>
          %mul3A_282 = arith.muli %gather3A_273, %mul3A_281 : vector<16xi32>
          %add3A_283 = arith.addi %mul3A_282, %and3A_4 : vector<16xi32>
          tpu.vector_store_idx %arg16[%shift_right_logical3A_2, %add3A_283], %gather3A_279 : memref<4x4096xf32, #tpu.memory_space<vmem>>[vector<16xi32>, vector<16xi32>], vector<16xf32>,
          %while3A_284 = arith.constant 0 : i32
          scf.yield %while3A_284 : i32
        }
        %while3A_264 = arith.constant 1 : i32
        %while3A_265 = scf.for %while3A_267 = %while3A_261 to %while3A_257 step %while3A_264 iter_args(%while3A_268 = %while3A_263) -> (i32)  : i32 {
          %mul3A_269 = arith.constant 64 : i32
          %mul3A_270 = arith.muli %while3A_243, %mul3A_269 : i32
          %add3A_271 = arith.addi %mul3A_270, %while3A_267 : i32
          %broadcast_in_dim3A_272 = vector.broadcast %add3A_271 : i32 to vector<16xi32>
          %gather3A_273 = tpu.vector_load_idx %arg15[%broadcast_in_dim3A_272] : memref<1040xi32, #tpu.memory_space<vmem>>[vector<16xi32>], vector<16xi32>,
          %mul3A_274 = arith.constant 16 : i32
          %mul3A_275 = arith.muli %while3A_267, %mul3A_274 : i32
          %broadcast_in_dim3A_276 = vector.broadcast %mul3A_275 : i32 to vector<16xi32>
          %iota3A_277 = tpu.iota {dimensions = array<i32: 0>} : vector<16xi32>
          %add3A_278 = arith.addi %broadcast_in_dim3A_276, %iota3A_277 : vector<16xi32>
          %gather3A_279 = tpu.vector_load_idx %arg14[%add3A_278] : memref<1024xf32, #tpu.memory_space<vmem>>[vector<16xi32>], vector<16xf32>,
          %mul3A_280 = arith.constant 4 : i32
          %mul3A_281 = vector.broadcast %mul3A_280 : i32 to vector<16xi32>
          %mul3A_282 = arith.muli %gather3A_273, %mul3A_281 : vector<16xi32>
          %add3A_283 = arith.addi %mul3A_282, %and3A_4 : vector<16xi32>
          tpu.vector_store_idx %arg16[%shift_right_logical3A_2, %add3A_283], %gather3A_279 : memref<4x4096xf32, #tpu.memory_space<vmem>>[vector<16xi32>, vector<16xi32>], vector<16xf32>,
          %while3A_284 = arith.constant 0 : i32
          scf.yield %while3A_284 : i32
        }
        %while3A_266 = arith.constant 0 : i32
        scf.yield %while3A_266 : i32
      }
      %while3A_199 = arith.constant 1 : i32
      %while3A_200 = scf.for %while3A_243 = %while3A_196 to %while3A_192 step %while3A_199 iter_args(%while3A_244 = %while3A_198) -> (i32)  : i32 {
        %mul3A_245 = arith.constant 64 : i32
        %mul3A_246 = arith.muli %while3A_243, %mul3A_245 : i32
        %add3A_247 = arith.addi %reduce_sum3A_104, %mul3A_246 : i32
        %mul3A_248 = arith.constant 16 : i32
        %mul3A_249 = arith.muli %add3A_247, %mul3A_248 : i32
        "tpu.region"() ({
          %run_scoped3A = tpu.sem_alloc : memref<!tpu.dma_semaphore, #tpu.memory_space<semaphore_mem>>
          %dma_start3A = tpu.memref_slice %arg4[%mul3A_249] : memref<132096xf32, #tpu.memory_space<hbm>> -> memref<1024xf32, #tpu.memory_space<hbm>>
          %dma_start3A_267 = tpu.memref_slice %arg4[%mul3A_249] : memref<132096xf32, #tpu.memory_space<hbm>> -> memref<1024xf32, #tpu.memory_space<hbm>>
          tpu.enqueue_dma source(%dma_start3A_267 : memref<1024xf32, #tpu.memory_space<hbm>>) target(%arg14 : memref<1024xf32, #tpu.memory_space<vmem>>) target_semaphore(%run_scoped3A : memref<!tpu.dma_semaphore, #tpu.memory_space<semaphore_mem>>)
          %dma_wait3A = tpu.memref_slice %arg4[%mul3A_249] : memref<132096xf32, #tpu.memory_space<hbm>> -> memref<1024xf32, #tpu.memory_space<hbm>>
          %dma_wait3A_268 = tpu.memref_slice %arg4[%mul3A_249] : memref<132096xf32, #tpu.memory_space<hbm>> -> memref<1024xf32, #tpu.memory_space<hbm>>
          tpu.wait_dma2 semaphore(%run_scoped3A : memref<!tpu.dma_semaphore, #tpu.memory_space<semaphore_mem>>) src(%dma_wait3A_268 : memref<1024xf32, #tpu.memory_space<hbm>>) dst(%arg14 : memref<1024xf32, #tpu.memory_space<vmem>>)
          tpu.yield
        }) : () -> ()
        %mul3A_250 = arith.constant 64 : i32
        %mul3A_251 = arith.muli %while3A_243, %mul3A_250 : i32
        %sub3A_252 = arith.subi %reduce_sum3A_119, %mul3A_251 : i32
        %min3A = arith.constant 64 : i32
        %min3A_253 = arith.minsi %min3A, %sub3A_252 : i32
        %while3A_254 = arith.constant 0 : i32
        %while3A_255 = arith.constant 0 : i32
        %while3A_256 = arith.subi %min3A_253, %while3A_254 : i32
        %while3A_257 = arith.addi %while3A_254, %while3A_256 : i32
        %while3A_258 = arith.constant 1 : i32
        %while3A_259 = arith.divsi %while3A_256, %while3A_258 : i32
        %while3A_260 = arith.muli %while3A_259, %while3A_258 : i32
        %while3A_261 = arith.addi %while3A_254, %while3A_260 : i32
        %while3A_262 = arith.constant 1 : i32
        %while3A_263 = scf.for %while3A_267 = %while3A_254 to %while3A_261 step %while3A_262 iter_args(%while3A_268 = %while3A_255) -> (i32)  : i32 {
          %mul3A_269 = arith.constant 64 : i32
          %mul3A_270 = arith.muli %while3A_243, %mul3A_269 : i32
          %add3A_271 = arith.addi %mul3A_270, %while3A_267 : i32
          %broadcast_in_dim3A_272 = vector.broadcast %add3A_271 : i32 to vector<16xi32>
          %gather3A_273 = tpu.vector_load_idx %arg15[%broadcast_in_dim3A_272] : memref<1040xi32, #tpu.memory_space<vmem>>[vector<16xi32>], vector<16xi32>,
          %mul3A_274 = arith.constant 16 : i32
          %mul3A_275 = arith.muli %while3A_267, %mul3A_274 : i32
          %broadcast_in_dim3A_276 = vector.broadcast %mul3A_275 : i32 to vector<16xi32>
          %iota3A_277 = tpu.iota {dimensions = array<i32: 0>} : vector<16xi32>
          %add3A_278 = arith.addi %broadcast_in_dim3A_276, %iota3A_277 : vector<16xi32>
          %gather3A_279 = tpu.vector_load_idx %arg14[%add3A_278] : memref<1024xf32, #tpu.memory_space<vmem>>[vector<16xi32>], vector<16xf32>,
          %mul3A_280 = arith.constant 4 : i32
          %mul3A_281 = vector.broadcast %mul3A_280 : i32 to vector<16xi32>
          %mul3A_282 = arith.muli %gather3A_273, %mul3A_281 : vector<16xi32>
          %add3A_283 = arith.addi %mul3A_282, %and3A_4 : vector<16xi32>
          tpu.vector_store_idx %arg16[%shift_right_logical3A_2, %add3A_283], %gather3A_279 : memref<4x4096xf32, #tpu.memory_space<vmem>>[vector<16xi32>, vector<16xi32>], vector<16xf32>,
          %while3A_284 = arith.constant 0 : i32
          scf.yield %while3A_284 : i32
        }
        %while3A_264 = arith.constant 1 : i32
        %while3A_265 = scf.for %while3A_267 = %while3A_261 to %while3A_257 step %while3A_264 iter_args(%while3A_268 = %while3A_263) -> (i32)  : i32 {
          %mul3A_269 = arith.constant 64 : i32
          %mul3A_270 = arith.muli %while3A_243, %mul3A_269 : i32
          %add3A_271 = arith.addi %mul3A_270, %while3A_267 : i32
          %broadcast_in_dim3A_272 = vector.broadcast %add3A_271 : i32 to vector<16xi32>
          %gather3A_273 = tpu.vector_load_idx %arg15[%broadcast_in_dim3A_272] : memref<1040xi32, #tpu.memory_space<vmem>>[vector<16xi32>], vector<16xi32>,
          %mul3A_274 = arith.constant 16 : i32
          %mul3A_275 = arith.muli %while3A_267, %mul3A_274 : i32
          %broadcast_in_dim3A_276 = vector.broadcast %mul3A_275 : i32 to vector<16xi32>
          %iota3A_277 = tpu.iota {dimensions = array<i32: 0>} : vector<16xi32>
          %add3A_278 = arith.addi %broadcast_in_dim3A_276, %iota3A_277 : vector<16xi32>
          %gather3A_279 = tpu.vector_load_idx %arg14[%add3A_278] : memref<1024xf32, #tpu.memory_space<vmem>>[vector<16xi32>], vector<16xf32>,
          %mul3A_280 = arith.constant 4 : i32
          %mul3A_281 = vector.broadcast %mul3A_280 : i32 to vector<16xi32>
          %mul3A_282 = arith.muli %gather3A_273, %mul3A_281 : vector<16xi32>
          %add3A_283 = arith.addi %mul3A_282, %and3A_4 : vector<16xi32>
          tpu.vector_store_idx %arg16[%shift_right_logical3A_2, %add3A_283], %gather3A_279 : memref<4x4096xf32, #tpu.memory_space<vmem>>[vector<16xi32>, vector<16xi32>], vector<16xf32>,
          %while3A_284 = arith.constant 0 : i32
          scf.yield %while3A_284 : i32
        }
        %while3A_266 = arith.constant 0 : i32
        scf.yield %while3A_266 : i32
      }
      %add3A_201 = arith.constant 64 : i32
      %add3A_202 = arith.addi %reduce_sum3A_89, %add3A_201 : i32
      %sub3A_203 = arith.constant 1 : i32
      %sub3A_204 = arith.subi %add3A_202, %sub3A_203 : i32
      %jit3A_205 = arith.constant 64 : i32
      %div3A_206 = arith.divsi %sub3A_204, %jit3A_205 : i32
      %sign3A_207 = arith.constant 0 : i32
      %sign3A_208 = arith.cmpi sgt, %sub3A_204, %sign3A_207 : i32
      %sign3A_209 = arith.extui %sign3A_208 : i1 to i32
      %sign3A_210 = arith.constant 0 : i32
      %sign3A_211 = arith.cmpi slt, %sub3A_204, %sign3A_210 : i32
      %sign3A_212 = arith.extui %sign3A_211 : i1 to i32
      %sign3A_213 = arith.subi %sign3A_209, %sign3A_212 : i32
      %sign3A_214 = arith.constant 0 : i32
      %sign3A_215 = arith.cmpi sgt, %jit3A_205, %sign3A_214 : i32
      %sign3A_216 = arith.extui %sign3A_215 : i1 to i32
      %sign3A_217 = arith.constant 0 : i32
      %sign3A_218 = arith.cmpi slt, %jit3A_205, %sign3A_217 : i32
      %sign3A_219 = arith.extui %sign3A_218 : i1 to i32
      %sign3A_220 = arith.subi %sign3A_216, %sign3A_219 : i32
      %ne3A_221 = arith.cmpi ne, %sign3A_213, %sign3A_220 : i32
      %rem3A_222 = arith.remsi %sub3A_204, %jit3A_205 : i32
      %ne3A_223 = arith.constant 0 : i32
      %ne3A_224 = arith.cmpi ne, %rem3A_222, %ne3A_223 : i32
      %and3A_225 = arith.andi %ne3A_221, %ne3A_224 : i1
      %sub3A_226 = arith.constant 1 : i32
      %sub3A_227 = arith.subi %div3A_206, %sub3A_226 : i32
      %select_n3A_228 = arith.select %and3A_225, %sub3A_227, %div3A_206 : i32
      %while3A_229 = arith.constant 0 : i32
      %while3A_230 = arith.constant 0 : i32
      %while3A_231 = arith.subi %select_n3A_228, %while3A_229 : i32
      %while3A_232 = arith.addi %while3A_229, %while3A_231 : i32
      %while3A_233 = arith.constant 1 : i32
      %while3A_234 = arith.divsi %while3A_231, %while3A_233 : i32
      %while3A_235 = arith.muli %while3A_234, %while3A_233 : i32
      %while3A_236 = arith.addi %while3A_229, %while3A_235 : i32
      %while3A_237 = arith.constant 1 : i32
      %while3A_238 = scf.for %while3A_243 = %while3A_229 to %while3A_236 step %while3A_237 iter_args(%while3A_244 = %while3A_230) -> (i32)  : i32 {
        %mul3A_245 = arith.constant 64 : i32
        %mul3A_246 = arith.muli %while3A_243, %mul3A_245 : i32
        %add3A_247 = arith.addi %reduce_sum3A_74, %mul3A_246 : i32
        %mul3A_248 = arith.constant 16 : i32
        %mul3A_249 = arith.muli %add3A_247, %mul3A_248 : i32
        "tpu.region"() ({
          %run_scoped3A = tpu.sem_alloc : memref<!tpu.dma_semaphore, #tpu.memory_space<semaphore_mem>>
          %dma_start3A = tpu.memref_slice %arg3[%mul3A_249] : memref<132096xf32, #tpu.memory_space<hbm>> -> memref<1024xf32, #tpu.memory_space<hbm>>
          %dma_start3A_267 = tpu.memref_slice %arg3[%mul3A_249] : memref<132096xf32, #tpu.memory_space<hbm>> -> memref<1024xf32, #tpu.memory_space<hbm>>
          tpu.enqueue_dma source(%dma_start3A_267 : memref<1024xf32, #tpu.memory_space<hbm>>) target(%arg13 : memref<1024xf32, #tpu.memory_space<vmem>>) target_semaphore(%run_scoped3A : memref<!tpu.dma_semaphore, #tpu.memory_space<semaphore_mem>>)
          %dma_wait3A = tpu.memref_slice %arg3[%mul3A_249] : memref<132096xf32, #tpu.memory_space<hbm>> -> memref<1024xf32, #tpu.memory_space<hbm>>
          %dma_wait3A_268 = tpu.memref_slice %arg3[%mul3A_249] : memref<132096xf32, #tpu.memory_space<hbm>> -> memref<1024xf32, #tpu.memory_space<hbm>>
          tpu.wait_dma2 semaphore(%run_scoped3A : memref<!tpu.dma_semaphore, #tpu.memory_space<semaphore_mem>>) src(%dma_wait3A_268 : memref<1024xf32, #tpu.memory_space<hbm>>) dst(%arg13 : memref<1024xf32, #tpu.memory_space<vmem>>)
          tpu.yield
        }) : () -> ()
        %mul3A_250 = arith.constant 64 : i32
        %mul3A_251 = arith.muli %while3A_243, %mul3A_250 : i32
        %sub3A_252 = arith.subi %reduce_sum3A_89, %mul3A_251 : i32
        %min3A = arith.constant 64 : i32
        %min3A_253 = arith.minsi %min3A, %sub3A_252 : i32
        %while3A_254 = arith.constant 0 : i32
        %while3A_255 = arith.constant 0 : i32
        %while3A_256 = arith.subi %min3A_253, %while3A_254 : i32
        %while3A_257 = arith.addi %while3A_254, %while3A_256 : i32
        %while3A_258 = arith.constant 1 : i32
        %while3A_259 = arith.divsi %while3A_256, %while3A_258 : i32
        %while3A_260 = arith.muli %while3A_259, %while3A_258 : i32
        %while3A_261 = arith.addi %while3A_254, %while3A_260 : i32
        %while3A_262 = arith.constant 1 : i32
        %while3A_263 = scf.for %while3A_267 = %while3A_254 to %while3A_261 step %while3A_262 iter_args(%while3A_268 = %while3A_255) -> (i32)  : i32 {
          %mul3A_269 = arith.constant 64 : i32
          %mul3A_270 = arith.muli %while3A_243, %mul3A_269 : i32
          %add3A_271 = arith.addi %reduce_sum3A_119, %mul3A_270 : i32
          %add3A_272 = arith.addi %add3A_271, %while3A_267 : i32
          %broadcast_in_dim3A_273 = vector.broadcast %add3A_272 : i32 to vector<16xi32>
          %gather3A_274 = tpu.vector_load_idx %arg15[%broadcast_in_dim3A_273] : memref<1040xi32, #tpu.memory_space<vmem>>[vector<16xi32>], vector<16xi32>,
          %mul3A_275 = arith.constant 16 : i32
          %mul3A_276 = arith.muli %while3A_267, %mul3A_275 : i32
          %broadcast_in_dim3A_277 = vector.broadcast %mul3A_276 : i32 to vector<16xi32>
          %iota3A_278 = tpu.iota {dimensions = array<i32: 0>} : vector<16xi32>
          %add3A_279 = arith.addi %broadcast_in_dim3A_277, %iota3A_278 : vector<16xi32>
          %gather3A_280 = tpu.vector_load_idx %arg13[%add3A_279] : memref<1024xf32, #tpu.memory_space<vmem>>[vector<16xi32>], vector<16xf32>,
          %mul3A_281 = arith.constant 4 : i32
          %mul3A_282 = vector.broadcast %mul3A_281 : i32 to vector<16xi32>
          %mul3A_283 = arith.muli %gather3A_274, %mul3A_282 : vector<16xi32>
          %add3A_284 = arith.addi %mul3A_283, %and3A_4 : vector<16xi32>
          tpu.vector_store_idx %arg16[%shift_right_logical3A_2, %add3A_284], %gather3A_280 : memref<4x4096xf32, #tpu.memory_space<vmem>>[vector<16xi32>, vector<16xi32>], vector<16xf32>,
          %while3A_285 = arith.constant 0 : i32
          scf.yield %while3A_285 : i32
        }
        %while3A_264 = arith.constant 1 : i32
        %while3A_265 = scf.for %while3A_267 = %while3A_261 to %while3A_257 step %while3A_264 iter_args(%while3A_268 = %while3A_263) -> (i32)  : i32 {
          %mul3A_269 = arith.constant 64 : i32
          %mul3A_270 = arith.muli %while3A_243, %mul3A_269 : i32
          %add3A_271 = arith.addi %reduce_sum3A_119, %mul3A_270 : i32
          %add3A_272 = arith.addi %add3A_271, %while3A_267 : i32
          %broadcast_in_dim3A_273 = vector.broadcast %add3A_272 : i32 to vector<16xi32>
          %gather3A_274 = tpu.vector_load_idx %arg15[%broadcast_in_dim3A_273] : memref<1040xi32, #tpu.memory_space<vmem>>[vector<16xi32>], vector<16xi32>,
          %mul3A_275 = arith.constant 16 : i32
          %mul3A_276 = arith.muli %while3A_267, %mul3A_275 : i32
          %broadcast_in_dim3A_277 = vector.broadcast %mul3A_276 : i32 to vector<16xi32>
          %iota3A_278 = tpu.iota {dimensions = array<i32: 0>} : vector<16xi32>
          %add3A_279 = arith.addi %broadcast_in_dim3A_277, %iota3A_278 : vector<16xi32>
          %gather3A_280 = tpu.vector_load_idx %arg13[%add3A_279] : memref<1024xf32, #tpu.memory_space<vmem>>[vector<16xi32>], vector<16xf32>,
          %mul3A_281 = arith.constant 4 : i32
          %mul3A_282 = vector.broadcast %mul3A_281 : i32 to vector<16xi32>
          %mul3A_283 = arith.muli %gather3A_274, %mul3A_282 : vector<16xi32>
          %add3A_284 = arith.addi %mul3A_283, %and3A_4 : vector<16xi32>
          tpu.vector_store_idx %arg16[%shift_right_logical3A_2, %add3A_284], %gather3A_280 : memref<4x4096xf32, #tpu.memory_space<vmem>>[vector<16xi32>, vector<16xi32>], vector<16xf32>,
          %while3A_285 = arith.constant 0 : i32
          scf.yield %while3A_285 : i32
        }
        %while3A_266 = arith.constant 0 : i32
        scf.yield %while3A_266 : i32
      }
      %while3A_239 = arith.constant 1 : i32
      %while3A_240 = scf.for %while3A_243 = %while3A_236 to %while3A_232 step %while3A_239 iter_args(%while3A_244 = %while3A_238) -> (i32)  : i32 {
        %mul3A_245 = arith.constant 64 : i32
        %mul3A_246 = arith.muli %while3A_243, %mul3A_245 : i32
        %add3A_247 = arith.addi %reduce_sum3A_74, %mul3A_246 : i32
        %mul3A_248 = arith.constant 16 : i32
        %mul3A_249 = arith.muli %add3A_247, %mul3A_248 : i32
        "tpu.region"() ({
          %run_scoped3A = tpu.sem_alloc : memref<!tpu.dma_semaphore, #tpu.memory_space<semaphore_mem>>
          %dma_start3A = tpu.memref_slice %arg3[%mul3A_249] : memref<132096xf32, #tpu.memory_space<hbm>> -> memref<1024xf32, #tpu.memory_space<hbm>>
          %dma_start3A_267 = tpu.memref_slice %arg3[%mul3A_249] : memref<132096xf32, #tpu.memory_space<hbm>> -> memref<1024xf32, #tpu.memory_space<hbm>>
          tpu.enqueue_dma source(%dma_start3A_267 : memref<1024xf32, #tpu.memory_space<hbm>>) target(%arg13 : memref<1024xf32, #tpu.memory_space<vmem>>) target_semaphore(%run_scoped3A : memref<!tpu.dma_semaphore, #tpu.memory_space<semaphore_mem>>)
          %dma_wait3A = tpu.memref_slice %arg3[%mul3A_249] : memref<132096xf32, #tpu.memory_space<hbm>> -> memref<1024xf32, #tpu.memory_space<hbm>>
          %dma_wait3A_268 = tpu.memref_slice %arg3[%mul3A_249] : memref<132096xf32, #tpu.memory_space<hbm>> -> memref<1024xf32, #tpu.memory_space<hbm>>
          tpu.wait_dma2 semaphore(%run_scoped3A : memref<!tpu.dma_semaphore, #tpu.memory_space<semaphore_mem>>) src(%dma_wait3A_268 : memref<1024xf32, #tpu.memory_space<hbm>>) dst(%arg13 : memref<1024xf32, #tpu.memory_space<vmem>>)
          tpu.yield
        }) : () -> ()
        %mul3A_250 = arith.constant 64 : i32
        %mul3A_251 = arith.muli %while3A_243, %mul3A_250 : i32
        %sub3A_252 = arith.subi %reduce_sum3A_89, %mul3A_251 : i32
        %min3A = arith.constant 64 : i32
        %min3A_253 = arith.minsi %min3A, %sub3A_252 : i32
        %while3A_254 = arith.constant 0 : i32
        %while3A_255 = arith.constant 0 : i32
        %while3A_256 = arith.subi %min3A_253, %while3A_254 : i32
        %while3A_257 = arith.addi %while3A_254, %while3A_256 : i32
        %while3A_258 = arith.constant 1 : i32
        %while3A_259 = arith.divsi %while3A_256, %while3A_258 : i32
        %while3A_260 = arith.muli %while3A_259, %while3A_258 : i32
        %while3A_261 = arith.addi %while3A_254, %while3A_260 : i32
        %while3A_262 = arith.constant 1 : i32
        %while3A_263 = scf.for %while3A_267 = %while3A_254 to %while3A_261 step %while3A_262 iter_args(%while3A_268 = %while3A_255) -> (i32)  : i32 {
          %mul3A_269 = arith.constant 64 : i32
          %mul3A_270 = arith.muli %while3A_243, %mul3A_269 : i32
          %add3A_271 = arith.addi %reduce_sum3A_119, %mul3A_270 : i32
          %add3A_272 = arith.addi %add3A_271, %while3A_267 : i32
          %broadcast_in_dim3A_273 = vector.broadcast %add3A_272 : i32 to vector<16xi32>
          %gather3A_274 = tpu.vector_load_idx %arg15[%broadcast_in_dim3A_273] : memref<1040xi32, #tpu.memory_space<vmem>>[vector<16xi32>], vector<16xi32>,
          %mul3A_275 = arith.constant 16 : i32
          %mul3A_276 = arith.muli %while3A_267, %mul3A_275 : i32
          %broadcast_in_dim3A_277 = vector.broadcast %mul3A_276 : i32 to vector<16xi32>
          %iota3A_278 = tpu.iota {dimensions = array<i32: 0>} : vector<16xi32>
          %add3A_279 = arith.addi %broadcast_in_dim3A_277, %iota3A_278 : vector<16xi32>
          %gather3A_280 = tpu.vector_load_idx %arg13[%add3A_279] : memref<1024xf32, #tpu.memory_space<vmem>>[vector<16xi32>], vector<16xf32>,
          %mul3A_281 = arith.constant 4 : i32
          %mul3A_282 = vector.broadcast %mul3A_281 : i32 to vector<16xi32>
          %mul3A_283 = arith.muli %gather3A_274, %mul3A_282 : vector<16xi32>
          %add3A_284 = arith.addi %mul3A_283, %and3A_4 : vector<16xi32>
          tpu.vector_store_idx %arg16[%shift_right_logical3A_2, %add3A_284], %gather3A_280 : memref<4x4096xf32, #tpu.memory_space<vmem>>[vector<16xi32>, vector<16xi32>], vector<16xf32>,
          %while3A_285 = arith.constant 0 : i32
          scf.yield %while3A_285 : i32
        }
        %while3A_264 = arith.constant 1 : i32
        %while3A_265 = scf.for %while3A_267 = %while3A_261 to %while3A_257 step %while3A_264 iter_args(%while3A_268 = %while3A_263) -> (i32)  : i32 {
          %mul3A_269 = arith.constant 64 : i32
          %mul3A_270 = arith.muli %while3A_243, %mul3A_269 : i32
          %add3A_271 = arith.addi %reduce_sum3A_119, %mul3A_270 : i32
          %add3A_272 = arith.addi %add3A_271, %while3A_267 : i32
          %broadcast_in_dim3A_273 = vector.broadcast %add3A_272 : i32 to vector<16xi32>
          %gather3A_274 = tpu.vector_load_idx %arg15[%broadcast_in_dim3A_273] : memref<1040xi32, #tpu.memory_space<vmem>>[vector<16xi32>], vector<16xi32>,
          %mul3A_275 = arith.constant 16 : i32
          %mul3A_276 = arith.muli %while3A_267, %mul3A_275 : i32
          %broadcast_in_dim3A_277 = vector.broadcast %mul3A_276 : i32 to vector<16xi32>
          %iota3A_278 = tpu.iota {dimensions = array<i32: 0>} : vector<16xi32>
          %add3A_279 = arith.addi %broadcast_in_dim3A_277, %iota3A_278 : vector<16xi32>
          %gather3A_280 = tpu.vector_load_idx %arg13[%add3A_279] : memref<1024xf32, #tpu.memory_space<vmem>>[vector<16xi32>], vector<16xf32>,
          %mul3A_281 = arith.constant 4 : i32
          %mul3A_282 = vector.broadcast %mul3A_281 : i32 to vector<16xi32>
          %mul3A_283 = arith.muli %gather3A_274, %mul3A_282 : vector<16xi32>
          %add3A_284 = arith.addi %mul3A_283, %and3A_4 : vector<16xi32>
          tpu.vector_store_idx %arg16[%shift_right_logical3A_2, %add3A_284], %gather3A_280 : memref<4x4096xf32, #tpu.memory_space<vmem>>[vector<16xi32>, vector<16xi32>], vector<16xf32>,
          %while3A_285 = arith.constant 0 : i32
          scf.yield %while3A_285 : i32
        }
        %while3A_266 = arith.constant 0 : i32
        scf.yield %while3A_266 : i32
      }
      %mul3A_241 = arith.constant 4 : i32
      %mul3A_242 = arith.muli %add3A_25, %mul3A_241 : i32
      "tpu.region"() ({
        %run_scoped3A = tpu.sem_alloc : memref<!tpu.dma_semaphore, #tpu.memory_space<semaphore_mem>>
        %dma_start3A = arith.constant 0 : i32
        %dma_start3A_243 = tpu.memref_slice %arg8[%mul3A_242, %dma_start3A] : memref<4096x4096xf32, #tpu.memory_space<hbm>> -> memref<4x4096xf32, #tpu.memory_space<hbm>>
        %dma_start3A_244 = arith.constant 0 : i32
        %dma_start3A_245 = tpu.memref_slice %arg8[%mul3A_242, %dma_start3A_244] : memref<4096x4096xf32, #tpu.memory_space<hbm>> -> memref<4x4096xf32, #tpu.memory_space<hbm>>
        tpu.enqueue_dma source(%arg16 : memref<4x4096xf32, #tpu.memory_space<vmem>>) target(%dma_start3A_245 : memref<4x4096xf32, #tpu.memory_space<hbm>>) target_semaphore(%run_scoped3A : memref<!tpu.dma_semaphore, #tpu.memory_space<semaphore_mem>>)
        %dma_wait3A = arith.constant 0 : i32
        %dma_wait3A_246 = tpu.memref_slice %arg8[%mul3A_242, %dma_wait3A] : memref<4096x4096xf32, #tpu.memory_space<hbm>> -> memref<4x4096xf32, #tpu.memory_space<hbm>>
        %dma_wait3A_247 = arith.constant 0 : i32
        %dma_wait3A_248 = tpu.memref_slice %arg8[%mul3A_242, %dma_wait3A_247] : memref<4096x4096xf32, #tpu.memory_space<hbm>> -> memref<4x4096xf32, #tpu.memory_space<hbm>>
        tpu.wait_dma2 semaphore(%run_scoped3A : memref<!tpu.dma_semaphore, #tpu.memory_space<semaphore_mem>>) src(%arg16 : memref<4x4096xf32, #tpu.memory_space<vmem>>) dst(%dma_wait3A_248 : memref<4x4096xf32, #tpu.memory_space<hbm>>)
        tpu.yield
      }) : () -> ()
      scf.yield %reduce_sum3A_59, %add3A_25 : i32, i32
    }
    %scan3A_19 = arith.constant 32 : i32
    return
  }
}

</mosaic_0001>

<sc_bundles>
// kernel: kernel.4.cloned.1.call-start
scs
__scs_entry_jumppad:
0x0: {  	(pc) =	sbr.rel $0x88, $3  }
0x1: {  	(tag) =	ssettag $0x0;
	lr =	simm.s32 $0x1  }
0x2: {  	[smem:$0x3F9D] =	sst lr;
	_ =	strace $0xD0000000  }
0x3: {  	_ = 	snop  }
0x4: {  	_ = 	snop  }
0x5: {  	_ = 	snop  }
0x6: {  	_ = 	snop  }
0x7: {  	_ = 	snop  }
__scs_overlays_trampoline_lowered:
0x8: {  	[smem:$0x3FAC] =	sst s0  }
0x9: {  	[smem:$0x3FAD] =	sst s1  }
0xa: {  	[smem:$0x3FAE] =	sst s2  }
0xb: {  	[smem:$0x3FAF] =	sst s3  }
0xc: {  	[smem:$0x3FB0] =	sst s4  }
0xd: {  	[smem:$0x3FB1] =	sst s5  }
0xe: {  	[smem:$0x3FB2] =	sst s6  }
0xf: {  	[smem:$0x3FB3] =	sst s7  }
0x10: {  	[smem:$0x3FB4] =	sst s8  }
0x11: {  	[smem:$0x3FB5] =	sst s9;
	s0 =	simm.s32 @!p0 $0x0  }
0x12: {  	s1 =	sld [smem:$0x3F9B];
	s0 =	simm.s32 @p0 $0x1  }
0x13: {  	[smem:$0x3FB6] =	sst s0;
	s0 =	simm.s32 @!p1 $0x0  }
0x14: {  	s2 =	sld [smem:$0x3F9A];
	s0 =	simm.s32 @p1 $0x1  }
0x15: {  	[smem:$0x3FB7] =	sst s0;
	s0 =	simm.s32 @!p2 $0x0  }
0x16: {  	s3 =	sld [smem:$0x3FDB];
	s0 =	simm.s32 @p2 $0x1  }
0x17: {  	s4 =	simm.s32 $0x1BF5;
	[smem:$0x3FB9] =	sst s0  }
0x18: {  	s0 =	sld [smem:$0x3F9C];
	_ =	swait.ge [sflag:s4], $0x0  }
0x19: {  	s7 =	sld [smem:$0x3F9D]  }
0x1a: {  	s8 =	sadd.s32 $0xFFFFE003, lr  }
0x1b: {  	s9 =	sadd.s32 $0xFFFFFEF7, lr;
	s5 =	simm.s32 $0xFFFFFFFF;
	p2 =	slt.u32 s8, $0xFFFFF086  }
0x1c: {  	p1 =	slt.u32 s9, $0xF7A;
	s5 =	simm.s32 @!p2 $0x0  }
0x1d: {  	s5 =	simm.s32 @p1 $0x1;
	p0 =	seq.s32 s7, s2  }
0x1e: {  	s7 =	smul.u32 @!p0 $0xF7A, s2;
	p2 =	seq.s32 @!p0 s5, $0x0  }
0x1f: {  	s9 =	smul.u32 $0xF7A, s1;
	s8 =	simm.s32 @!p0 $0x1BF5;
	p2 =	por !p2, p0  }
0x20: {  	[sflag:s8] =	ssyncset.s32 @!p0 $0xFFFFF086;
	s6 =	sadd.s32 @!p0 s3, s7;
	s7 =	simm.s32 @!p0 $0x108  }
0x21: {  	s3 =	sadd.s32 s3, s9;
	s6 =	sadd.s32 @!p0 $0x88, s6;
	s7 =	simm.s32 @p2 $0x1082  }
0x22: {  	[simem:s7], [sflag:s8] =	dma.local @!p0 [hbm:s6], $0xF7A  }
0x23: {  	s9 =	sor.u32 $0xD0000000, s2;
	s6 =	simm.s32 $0x108;
	_ =	swait.ge @!p0 [sflag:s8], $0x0  }
0x24: {  	s3 =	sadd.s32 $0x88, s3;
	s6 =	simm.s32 @!p1 $0x1082;
	[sflag:s4] =	ssyncset.s32 $0xFFFFF086  }
0x25: {  	[simem:s6], [sflag:s4] =	dma.local [hbm:s3], $0xF7A  }
0x26: {  	[smem:$0x3F9D] =	sst s1;
	(tag) =	ssettag s2;
	_ =	strace s9  }
0x27: {  	s1 =	sld [smem:$0x3FAD]  }
0x28: {  	s2 =	sld [smem:$0x3FAE]  }
0x29: {  	s4 =	sld [smem:$0x3FB0]  }
0x2a: {  	p0 =	seq.s32 s5, $0x0;
	s5 =	sld [smem:$0x3FB1]  }
0x2b: {  	s6 =	sld [smem:$0x3FB2]  }
0x2c: {  	s7 =	sld [smem:$0x3FB3]  }
0x2d: {  	s3 =	simm.s32 $0x108;
	s8 =	sld [smem:$0x3FB4]  }
0x2e: {  	s3 =	simm.s32 @!p0 $0x1082;
	s9 =	sld [smem:$0x3FB5]  }
0x2f: {  	lr =	sadd.s32 s0, s3;
	s0 =	sld [smem:$0x3FAC]  }
0x30: {  	s3 =	sld [smem:$0x3FAF]  }
0x31: {  	[smem:$0x3FB8] =	sst s10  }
0x32: {  	s10 =	sld [smem:$0x3FB6];
	_ =	sdelay $0x3  }
0x33: {  	p0 =	seq.s32 s10, $0x1;
	s10 =	sld [smem:$0x3FB8];
	_ =	sdelay $0x3  }
0x34: {  	[smem:$0x3FB8] =	sst s10  }
0x35: {  	s10 =	sld [smem:$0x3FB7];
	_ =	sdelay $0x3  }
0x36: {  	p1 =	seq.s32 s10, $0x1;
	s10 =	sld [smem:$0x3FB8];
	_ =	sdelay $0x3  }
0x37: {  	[smem:$0x3FB8] =	sst s10  }
0x38: {  	s10 =	sld [smem:$0x3FB9]  }
0x39: {  	_ = 	snop;
	(pc) =	sbr.ind lr, $3  }
0x3a: {  	_ = 	snop  }
0x3b: {  	_ = 	snop  }
0x3c: {  	p2 =	seq.s32 s10, $0x1;
	s10 =	sld [smem:$0x3FB8]  }
0x3d: {  	_ =	shalt  }
0x3e: {  	_ =	shalt  }
0x3f: {  	_ =	shalt  }
0x40: {  	_ =	shalt  }
0x41: {  	_ =	shalt  }
0x42: {  	_ =	shalt  }
0x43: {  	_ =	shalt  }
0x44: {  	_ =	shalt  }
0x45: {  	_ =	shalt  }
0x46: {  	_ =	shalt  }
0x47: {  	_ =	shalt  }
0x48: {  	_ =	shalt  }
0x49: {  	_ =	shalt  }
0x4a: {  	_ =	shalt  }
0x4b: {  	_ =	shalt  }
0x4c: {  	_ =	shalt  }
0x4d: {  	_ =	shalt  }
0x4e: {  	_ =	shalt  }
0x4f: {  	_ =	shalt  }
0x50: {  	_ =	shalt  }
0x51: {  	_ =	shalt  }
0x52: {  	_ =	shalt  }
0x53: {  	_ =	shalt  }
0x54: {  	_ =	shalt  }
0x55: {  	_ =	shalt  }
0x56: {  	_ =	shalt  }
0x57: {  	_ =	shalt  }
0x58: {  	_ =	shalt  }
0x59: {  	_ =	shalt  }
0x5a: {  	_ =	shalt  }
0x5b: {  	_ =	shalt  }
0x5c: {  	_ =	shalt  }
0x5d: {  	_ =	shalt  }
0x5e: {  	_ =	shalt  }
0x5f: {  	_ =	shalt  }
0x60: {  	_ =	shalt  }
0x61: {  	_ =	shalt  }
0x62: {  	_ =	shalt  }
0x63: {  	_ =	shalt  }
0x64: {  	_ =	shalt  }
0x65: {  	_ =	shalt  }
0x66: {  	_ =	shalt  }
0x67: {  	_ =	shalt  }
0x68: {  	_ =	shalt  }
0x69: {  	_ =	shalt  }
0x6a: {  	_ =	shalt  }
0x6b: {  	_ =	shalt  }
0x6c: {  	_ =	shalt  }
0x6d: {  	_ =	shalt  }
0x6e: {  	_ =	shalt  }
0x6f: {  	_ =	shalt  }
0x70: {  	_ =	shalt  }
0x71: {  	_ =	shalt  }
0x72: {  	_ =	shalt  }
0x73: {  	_ =	shalt  }
0x74: {  	_ =	shalt  }
0x75: {  	_ =	shalt  }
0x76: {  	_ =	shalt  }
0x77: {  	_ =	shalt  }
0x78: {  	_ =	shalt  }
0x79: {  	_ =	shalt  }
0x7a: {  	_ =	shalt  }
0x7b: {  	_ =	shalt  }
0x7c: {  	_ =	shalt  }
0x7d: {  	_ =	shalt  }
0x7e: {  	_ =	shalt  }
0x7f: {  	_ =	shalt  }
0x80: {  	_ =	shalt  }
0x81: {  	_ =	shalt  }
0x82: {  	_ =	shalt  }
0x83: {  	_ =	shalt  }
0x84: {  	_ =	shalt  }
0x85: {  	_ =	shalt  }
0x86: {  	_ =	shalt  }
0x87: {  	_ =	shalt  }
.Lfunc_end0:
.L_simem_size_0:
called_computation_lowered:
.L_overlay_start_0:
0x88: {  	s2 =	sld [smem:$0x3FD9]  }
0x89: {  	s3 =	sld [smem:$0x3FFE];
	_ =	sdelay $0x1  }
0x8a: {  	s1 =	srdreg.scid  }
0x8b: {  	s0 =	sand.u32 $0x1, s1  }
0x8c: {  	s17 =	sshll.u32 s0, $0xA;
	s2 =	sadd.s32 s3, s2  }
0x8d: {  	s2 =	sadd.s32 s2, s17  }
0x8e: {  	[smem:$0x3FC4] =	sst s2  }
0x8f: {  	_ = 	snop  }
0x90: {  	s2 =	sld [smem:$0x3FC8]  }
0x91: {  	s18 =	sld [smem:$0x3FD0];
	(tm) =	ssettm $0x1  }
0x92: {  	s4 =	sld [smem:$0x3FFB];
	_ =	sdelay $0x3  }
0x93: {  	_ =	strace s4  }
0x94: {  	s4 =	sld [smem:$0x3FFC];
	_ =	sdelay $0x3  }
0x95: {  	_ =	strace s4  }
0x96: {  	s4 =	sld [smem:$0x3FFD];
	_ =	sdelay $0x3  }
0x97: {  	_ =	strace s4  }
0x98: {  	_ =	strace $0x8FFFFFFF  }
0x99: {  	s19 =	sld [smem:$0x3FDB];
	_ =	sdelay $0x1  }
0x9a: {  	s5 =	simm.s32 $_scs_section_size  }
0x9b: {  	s6 =	simm.s32 $_size__tile_overlayer_lowered;
	s7 =	simm.s32 $_tile_overlayer_lowered  }
0x9c: {  	s22 =	simm.s32 $0x1BFF;
	s21 =	sshll.u32 s7, $0x1;
	s4 =	sadd.s32 s5, s19  }
0x9d: {  	s8 =	simm.s32 $0x0;
	s20 =	sshll.u32 s6, $0x1;
	s6 =	sadd.s32 s21, s4  }
0x9e: {  	[timem:s8], [sflag:s22] =	dma.local [hbm:s6], s20  }
0x9f: {  	_ =	swait.ge [sflag:s22], s20  }
0xa0: {  	s5 =	ssub.s32 $0x0, s20;
	[sflag:s22] =	ssyncset.done $0x0  }
0xa1: {  	[sflag:s22] =	ssyncadd.s32 s5;
	_ =	sdelay $0x1  }
0xa2: {  	s23 =	simm.s32 $0x1B8B  }
0xa3: {  	_ =	swait.ge [sflag:s23], $0x1  }
0xa4: {  	[sflag:s23] =	ssyncset.done $0x0  }
0xa5: {  	s25 =	simm.s32 $0x1B8E;
	s24 =	sld [smem:$0x3FFE];
	[sflag:s23] =	ssyncadd.s32 $0xFFFFFFFF  }
0xa6: {  	s26 =	simm.s32 $execute0_lowered;
	[smem:$0x3FD2] =	sst s25  }
0xa7: {  	s6 =	sshll.u32 s26, $0x1;
	_ =	strace $0x80000046;
	[dreg:$0x1] =	wrdreg $0xFFFFFFFF  }
0xa8: {  	s28 =	simm.s32 $_size_execute0_lowered;
	s4 =	sadd.s32 s4, s6;
	[dreg:$0x0] =	wrdreg $0x0  }
0xa9: {  	s6 =	sshll.u32 s28, $0x1;
	[dreg:$0x2] =	wrdreg s4  }
0xaa: {  	[dreg:$0x3] =	wrdreg s6  }
0xab: {  	[dreg:$0x4] =	wrdreg $0xC0  }
0xac: {  	_ =	task [dreg:s8], $0x5FFFF  }
0xad: {  	[dreg:$0x1] =	wrdreg $0xFFFFFFFF  }
0xae: {  	[dreg:$0x0] =	wrdreg $0x60  }
0xaf: {  	[dreg:$0x2] =	wrdreg s18  }
0xb0: {  	[dreg:$0x3] =	wrdreg s2  }
0xb1: {  	[dreg:$0x4] =	wrdreg s24  }
0xb2: {  	[dreg:$0x5] =	wrdreg $0x9  }
0xb3: {  	_ =	task.clear_ibuf [dreg:s8], $0x6FFFF;
	_ =	strace $0x90000046  }
0xb4: {  	s29 =	simm.s32 $0x9;
	_ =	strace $0x80000048  }
0xb5: {  	_ =	swait.ge [sflag:s29], $0x1  }
0xb6: {  	[sflag:s29] =	ssyncadd.s32 $0xFFFFFFFF  }
0xb7: {  	_ =	strace $0x90000048  }
0xb8: {  	_ =	sfence  }
0xb9: {  	s30 =	sld [smem:$0x0];
	_ =	sdelay $0x2  }
0xba: {  	s31 =	sshll.u32 s1, $0xD;
	s1 =	sshrl.u32 s1, $0x2  }
0xbb: {  	s3 =	sand.u32 $0x4000, s31;
	s1 =	sadd.s32 s1, s30  }
0xbc: {  	s0 =	sor.u32 s3, s0;
	s1 =	sshll.u32 s1, $0x11  }
0xbd: {  	s0 =	sor.u32 s1, s0  }
0xbe: {  	s0 =	sadd.s32 $0x8F2B, s0  }
0xbf: {  	[sflag:s0] =	ssyncadd.remote.s32 $0x1  }
0xc0: {  	_ =	sfence.sel $0xFFFF  }
0xc1: {  	[dreg:$0x0] =	wrdreg $0xFFFFFFFF;
	(pc) =	sbr.abs _section_cstart, $3  }
0xc2: {  	[dreg:$0x1] =	wrdreg $0xFFFFFFFF  }
0xc3: {  	_ =	task.clear_ibuf [dreg:s8], $0x2FFFF;
	_ =	strace $0x9FFFFFFF  }
0xc4: {  	(tm) =	ssettm $0x7FFFFFFF  }
0xc5: {  	_ =	shalt  }
tec
execute0_lowered:
.L_overlay_start_1:
0x0: {  	(tag) =	ssettag $0x1  }
0x1: {  	s0 =	rddreg [dreg:$0x0]  }
0x2: {  	s6 =	rddreg [dreg:$0x1]  }
0x3: {  	s1 =	rddreg [dreg:$0x2];
	s4 =	srdreg.scid  }
0x4: {  	s2 =	stileid.u32;
	s3 =	simm.s32 $0x0;
	s16 =	simm.s32 $0x1  }
0x5: {  	s17 =	simm.s32 $0x400;
	s18 =	simm.s32 $0x800;
	s19 =	simm.s32 $0x1000  }
0x6: {  	s20 =	simm.s32 $0x1800;
	s21 =	simm.s32 $0x1900;
	s22 =	simm.s32 $0x1A00  }
0x7: {  	s28 =	simm.s32 $0x6B00;
	s29 =	simm.s32 $0x8B80;
	s30 =	simm.s32 $0x9000  }
0x8: {  	s31 =	simm.s32 $0x0;
	s4 =	sand.u32 $0x1, s4;
	s5 =	sshll.u32 s2, $0x1  }
0x9: {  	s2 =	smov.u32 s6;
	[smem:$0x7FF] =	sst s3;
	s24 =	sadd.s32 $0x11E00, s1  }
0xa: {  	s9 =	sadd.s32 $0x1400, s1;
	_ =	strace $0x80000047;
	[dreg:$0x5] =	wrdreg s24  }
0xb: {  	s5 =	sor.u32 s4, s5;
	s4 =	ssub.s32 $0x2, s4;
	[dreg:$0x4] =	wrdreg s9  }
0xc: {  	s24 =	simm.s32 $0x2B00;
	s23 =	sshll.u32 s5, $0x5;
	s13 =	sshll.u32 s5, $0x9  }
0xd: {  	v0 =	vimm.s32 $0xFB73EA62;
	v1 =	vimm.s32 $0xD951C840;
	s7 =	sshll.u32 s5, $0xA;
	s25 =	sshrl.u32 s4, $0x1;
	s8 =	sshll.u32 s5, $0x8  }
0xe: {  	v0 =	vunpack.c.l.s4.s8 v0;
	v1 =	vunpack.c.l.s4.s8 v1;
	p0 =	sne.s32 s5, $0x0;
	s10 =	sadd.s32 s23, s1;
	s12 =	sadd.s32 s13, s1  }
0xf: {  	v7 =	vimm.s32 $0xFFFFFFFF;
	v8 =	vimm.s32 $0x0;
	vm0 =	vmmov $0x7fff;
	s14 =	sadd.s32 s7, s1;
	s1 =	sadd.s32 $0x12200, s1;
	s26 =	ssub.s32 s4, s25  }
.Ltmp0:
0x10: {  	v2 =	vunpack.c.0.s8.s32 v0;
	v1 =	vunpack.c.0.s8.s32 v1;
	v0 =	vlaneseq.u32;
	s7 =	sadd.s32 s0, s8;
	s6 =	sadd.s32 s9, s23;
	(pc) =	sbr.rel .LBB2_1-.Ltmp0, $4  }
0x11: {  	s23 =	simm.s32 $0x1B00;
	v6 =	vor.u32 $0x2000, v0;
	s25 =	simm.s32 $0x3B00;
	v9 =	vor.u32 $0x400, v0;
	v10 =	vor.u32 $0x800, v0;
	[dreg:$0x6] =	wrdreg s1  }
0x12: {  	v11 =	vor.u32 $0xC00, v0;
	v12 =	vor.u32 $0x1000, v0;
	s8 =	sadd.s32 $0x2000, s7;
	s9 =	sadd.s32 $0x1000, s10;
	s10 =	sadd.s32 $0x1800, s12;
	v5 =	vcombine.low v1, v2  }
0x13: {  	v13 =	vor.u32 $0x1400, v0;
	s11 =	sadd.s32 $0x5A00, s12;
	s12 =	sadd.s32 s0, s13;
	s15 =	sadd.s32 $0x9C00, s14;
	v1 =	vshrl.u32 v0, $0x2;
	v2 =	vand.u32 $0x3, v0  }
0x14: {  	s14 =	smax.u32 s26, $0x1;
	s26 =	simm.s32 $0x4B00;
	[dreg:$0x7] =	wrdreg s7;
	v3 =	vor.u32 $0x4, v1;
	v4 =	vor.u32 $0x4, v2;
	v5 =	vand.u32 $0xF, v5  }
.LBB2_18:
0x15: {  	_ =	sdelay $0x2  }
0x16: {  	(v2sf) =	vpush v17, $0xF  }
0x17: {  	v16 =	vld.idx.msk [tilespmem:v16+s29+$0x0], $0xffff  }
0x18: {  	v60 =	vld.idx.msk [tilespmem:v14+s29+$0x0], $0xffff;
	_ =	sdelay $0x2  }
0x19: {  	v15 =	vtrunc.f32 v15  }
0x1a: {  	v15 =	vcvt.f32.s32 v15  }
0x1b: {  	v16 =	vsub.s32 v16, v60  }
0x1c: {  	(xrf0) =	vadd.scan.msk.s32 $0xffff, v15;
	v18 =	vsub.s32 v15, v16  }
0x1d: {  	(xrf0) =	vadd.scan.msk.s32 $0xffff, v18;
	_ =	sdelay $0x4  }
0x1e: {  	v19, _, _ =	vpop (xrf0);
	s1 =	spop (v2sf)  }
0x1f: {  	v19 =	vadd.s32 s1, v19;
	v20, _, _ =	vpop (xrf0);
	s2 =	spop (v2sf)  }
0x20: {  	v21 =	vsel vm0, $0x0, v19;
	v20 =	vadd.s32 s2, v20  }
0x21: {  	(xrf0) =	vadd.scan.msk.s32 $0xffff, v21;
	v22 =	vsel vm0, $0x0, v20  }
0x22: {  	(xrf0) =	vadd.scan.msk.s32 $0xffff, v22;
	_ =	sdelay $0x4  }
0x23: {  	v21, _, _ =	vpop (xrf0)  }
0x24: {  	(v2sf) =	vpush v21, $0xF;
	v61, _, _ =	vpop (xrf0)  }
0x25: {  	(v2sf) =	vpush v61, $0xF;
	_ =	sdelay $0x2  }
0x26: {  	v62 =	vor.u32 s0, v9  }
0x27: {  	v63 =	vor.u32 s0, v10  }
0x28: {  	v23 =	vor.u32 s0, v11  }
0x29: {  	v24 =	vor.u32 s0, v12;
	v19 =	vsub.s32 v19, v15  }
0x2a: {  	v25 =	vor.u32 s0, v13;
	[tilespmem:v14+s30+$0x0] =	vst.idx.msk $0xffff, v19  }
0x2b: {  	[tilespmem:v62+s30+$0x0] =	vst.idx.msk $0xffff, v15  }
0x2c: {  	[tilespmem:v63+s30+$0x0] =	vst.idx.msk $0xffff, v60  }
0x2d: {  	[tilespmem:v23+s30+$0x0] =	vst.idx.msk $0xffff, v16;
	v14 =	vsub.s32 v20, v18  }
0x2e: {  	[tilespmem:v24+s30+$0x0] =	vst.idx.msk $0xffff, v14  }
0x2f: {  	s0 =	rddreg [dreg:$0x5];
	[tilespmem:v25+s30+$0x0] =	vst.idx.msk $0xffff, v18  }
0x30: {  	[hbm4b:s0+s3] =	stream.linear.scatter [tilespmem:s30], [sflag:$0x1], $0x1800, $0x38;
	[tilespmem:$0xA800] =	vst v63  }
0x31: {  	s4 =	spop (v2sf)  }
0x32: {  	s5 =	spop (v2sf)  }
0x33: {  	_ =	swait.ge [sflag:s16], $0x1800  }
0x34: {  	s2 =	smov.u32 s8;
	s8 =	smov.u32 s9;
	[sflag:s16] =	ssyncset.done $0x0  }
0x35: {  	s9 =	smov.u32 s11;
	s6 =	rddreg [dreg:$0x6];
	[sflag:s16] =	ssyncadd.s32 $0xFFFFE800  }
0x36: {  	[hbm4b:s6+s3] =	stream.linear.scatter [tilespmem:s17], [sflag:$0x1], $0x400, $0x38;
	[tilespmem:$0xA800] =	vst v63  }
0x37: {  	s11 =	smov.u32 s13;
	s6 =	smov.u32 s10;
	_ =	swait.ge [sflag:s16], $0x400  }
0x38: {  	s10 =	smov.u32 s12;
	s12 =	smov.u32 s14;
	[sflag:s16] =	ssyncset.done $0x0  }
0x39: {  	s14 =	smov.u32 s7;
	s7 =	rddreg [dreg:$0x7];
	[sflag:s16] =	ssyncadd.s32 $0xFFFFFC00  }
.LBB2_19:
0x3a: {  	s31 =	sadd.s32 $0x1, s31  }
0x3b: {  	p1 =	sne.s32 s31, s14  }
.Ltmp1:
0x3c: {  	_ = 	snop;
	(pc) =	sbr.rel @!p1 .LBB2_20-.Ltmp1, $1  }
0x3d: {  	_ =	sdelay $0x3  }
.LBB2_1:
0x3e: {  	v14 =	vor.u32 s3, v0  }
0x3f: {  	[tilespmem:s3], [sflag:$0x1] =	stream.linear.gather [hbm4b:s2+s3], $0x400, $0x38;
	[tilespmem:$0xA800] =	vst v63  }
0x40: {  	_ =	swait.ge [sflag:s16], $0x400  }
0x41: {  	[sflag:s16] =	ssyncset.done $0x0  }
0x42: {  	[sflag:s16] =	ssyncadd.s32 $0xFFFFFC00  }
0x43: {  	v15 =	vld.idx.msk [tilespmem:v14+s3+$0x0], $0xffff;
	_ =	sdelay $0x4  }
0x44: {  	v15 =	vadd.f32 v15, v15;
	_ =	sdelay $0x1  }
0x45: {  	v15 =	vadd.f32 $1.000000000e+00, v15;
	_ =	sdelay $0x1  }
0x46: {  	v16 =	vshrl.u32 v15, $0x1;
	v15 =	vmul.f32 $5.000000000e-01, v15  }
0x47: {  	v16 =	vsub.s32 $0x5F3759DF, v16  }
0x48: {  	v17 =	vmul.f32 v16, v15;
	_ =	sdelay $0x1  }
0x49: {  	v17 =	vmul.f32 v16, v17;
	_ =	sdelay $0x1  }
0x4a: {  	v17 =	vsub.f32 $1.500000000e+00, v17;
	_ =	sdelay $0x1  }
0x4b: {  	v16 =	vmul.f32 v16, v17;
	_ =	sdelay $0x1  }
0x4c: {  	v17 =	vmul.f32 v16, v15;
	_ =	sdelay $0x1  }
0x4d: {  	v17 =	vmul.f32 v17, v16;
	_ =	sdelay $0x1  }
0x4e: {  	v17 =	vsub.f32 $1.500000000e+00, v17;
	_ =	sdelay $0x1  }
0x4f: {  	v16 =	vmul.f32 v17, v16;
	_ =	sdelay $0x1  }
0x50: {  	v17 =	vmul.f32 v16, v15;
	_ =	sdelay $0x1  }
0x51: {  	v17 =	vmul.f32 v17, v16;
	_ =	sdelay $0x1  }
0x52: {  	v17 =	vsub.f32 $1.500000000e+00, v17;
	_ =	sdelay $0x1  }
0x53: {  	v16 =	vmul.f32 v17, v16;
	_ =	sdelay $0x1  }
0x54: {  	v15 =	vmul.f32 v16, v15;
	_ =	sdelay $0x1  }
0x55: {  	v17 =	vmul.f32 v15, v16  }
0x56: {  	s0 =	simm.s32 $0x10  }
0x57: {  	v15 =	vor.u32 s0, v0;
	s0 =	simm.s32 $0x20;
	v17 =	vsub.f32 $1.500000000e+00, v17  }
.LBB2_2:
0x58: {  	p1 =	sne.s32 s0, $0x3F0  }
0x59: {  	v16 =	vmul.f32 v17, v16;
	_ =	sdelay $0x1  }
0x5a: {  	[tilespmem:v14+s17+$0x0] =	vst.idx.msk $0xffff, v16;
	v14 =	vmov v15  }
0x5b: {  	v15 =	vld.idx.msk [tilespmem:v15+s3+$0x0], $0xffff;
	_ =	sdelay $0x5  }
0x5c: {  	v15 =	vadd.f32 v15, v15;
	_ =	sdelay $0x1  }
0x5d: {  	v15 =	vadd.f32 $1.000000000e+00, v15;
	_ =	sdelay $0x1  }
0x5e: {  	v16 =	vshrl.u32 v15, $0x1;
	v15 =	vmul.f32 $5.000000000e-01, v15  }
0x5f: {  	v16 =	vsub.s32 $0x5F3759DF, v16  }
0x60: {  	v17 =	vmul.f32 v16, v15;
	_ =	sdelay $0x1  }
0x61: {  	v17 =	vmul.f32 v16, v17;
	_ =	sdelay $0x1  }
0x62: {  	v17 =	vsub.f32 $1.500000000e+00, v17;
	_ =	sdelay $0x1  }
0x63: {  	v16 =	vmul.f32 v16, v17;
	_ =	sdelay $0x1  }
0x64: {  	v17 =	vmul.f32 v16, v15;
	_ =	sdelay $0x1  }
0x65: {  	v17 =	vmul.f32 v17, v16;
	_ =	sdelay $0x1  }
0x66: {  	v17 =	vsub.f32 $1.500000000e+00, v17;
	_ =	sdelay $0x1  }
0x67: {  	v16 =	vmul.f32 v17, v16;
	_ =	sdelay $0x1  }
0x68: {  	v17 =	vmul.f32 v16, v15;
	_ =	sdelay $0x1  }
0x69: {  	v17 =	vmul.f32 v17, v16;
	_ =	sdelay $0x1  }
0x6a: {  	v17 =	vsub.f32 $1.500000000e+00, v17;
	_ =	sdelay $0x1  }
0x6b: {  	v16 =	vmul.f32 v17, v16;
	_ =	sdelay $0x1  }
.Ltmp2:
0x6c: {  	v15 =	vmul.f32 v16, v15;
	(pc) =	sbr.rel @p1 .LBB2_2-.Ltmp2, $3  }
0x6d: {  	_ = 	snop  }
0x6e: {  	v17 =	vmul.f32 v15, v16;
	_ =	sdelay $0x1  }
0x6f: {  	v15 =	vor.u32 s0, v0;
	s0 =	sadd.s32 $0x10, s0;
	v17 =	vsub.f32 $1.500000000e+00, v17  }
0x70: {  	_ =	sdelay $0x1  }
0x71: {  	v16 =	vmul.f32 v17, v16;
	_ =	sdelay $0x1  }
0x72: {  	[tilespmem:v14+s17+$0x0] =	vst.idx.msk $0xffff, v16  }
0x73: {  	v14 =	vld.idx.msk [tilespmem:v15+s3+$0x0], $0xffff;
	_ =	sdelay $0x4  }
0x74: {  	v14 =	vadd.f32 v14, v14;
	_ =	sdelay $0x1  }
0x75: {  	v14 =	vadd.f32 $1.000000000e+00, v14;
	_ =	sdelay $0x1  }
0x76: {  	v16 =	vshrl.u32 v14, $0x1;
	v14 =	vmul.f32 $5.000000000e-01, v14  }
0x77: {  	v16 =	vsub.s32 $0x5F3759DF, v16  }
0x78: {  	v17 =	vmul.f32 v16, v14;
	_ =	sdelay $0x1  }
0x79: {  	v17 =	vmul.f32 v16, v17;
	_ =	sdelay $0x1  }
0x7a: {  	v17 =	vsub.f32 $1.500000000e+00, v17;
	_ =	sdelay $0x1  }
0x7b: {  	v16 =	vmul.f32 v16, v17;
	_ =	sdelay $0x1  }
0x7c: {  	v17 =	vmul.f32 v16, v14;
	_ =	sdelay $0x1  }
0x7d: {  	v17 =	vmul.f32 v17, v16;
	_ =	sdelay $0x1  }
0x7e: {  	v17 =	vsub.f32 $1.500000000e+00, v17;
	_ =	sdelay $0x1  }
0x7f: {  	v16 =	vmul.f32 v17, v16;
	_ =	sdelay $0x1  }
0x80: {  	v17 =	vmul.f32 v16, v14;
	_ =	sdelay $0x1  }
0x81: {  	v17 =	vmul.f32 v17, v16;
	_ =	sdelay $0x1  }
0x82: {  	v17 =	vsub.f32 $1.500000000e+00, v17;
	_ =	sdelay $0x1  }
0x83: {  	v16 =	vmul.f32 v17, v16;
	_ =	sdelay $0x1  }
0x84: {  	v14 =	vmul.f32 v16, v14;
	_ =	sdelay $0x1  }
0x85: {  	v14 =	vmul.f32 v14, v16;
	_ =	sdelay $0x1  }
0x86: {  	v14 =	vsub.f32 $1.500000000e+00, v14;
	_ =	sdelay $0x1  }
0x87: {  	v14 =	vmul.f32 v14, v16;
	_ =	sdelay $0x1  }
0x88: {  	s0 =	simm.s32 $0x0;
	[tilespmem:v15+s17+$0x0] =	vst.idx.msk $0xffff, v14  }
0x89: {  	[tilespmem:s18], [sflag:$0x1] =	stream.linear.gather [hbm4b:s7+s0], $0x800, $0x38;
	[tilespmem:$0xA800] =	vst v63  }
0x8a: {  	_ =	swait.ge [sflag:s16], $0x800  }
0x8b: {  	[sflag:s16] =	ssyncset.done $0x0  }
0x8c: {  	[sflag:s16] =	ssyncadd.s32 $0xFFFFF800  }
0x8d: {  	[tilespmem:s19], [sflag:$0x1] =	stream.linear.gather [hbm4b:s8+s0], $0x800, $0x38;
	[tilespmem:$0xA800] =	vst v63  }
0x8e: {  	_ =	swait.ge [sflag:s16], $0x800  }
0x8f: {  	[sflag:s16] =	ssyncset.done $0x0  }
0x90: {  	[sflag:s16] =	ssyncadd.s32 $0xFFFFF800  }
0x91: {  	[tilespmem:s20], [sflag:$0x1] =	stream.linear.gather [hbm4b:s6+s0], $0x100, $0x38;
	[tilespmem:$0xA800] =	vst v63  }
0x92: {  	_ =	swait.ge [sflag:s16], $0x100  }
0x93: {  	[sflag:s16] =	ssyncset.done $0x0  }
0x94: {  	v14 =	vor.u32 s0, v0;
	[sflag:s16] =	ssyncadd.s32 $0xFFFFFF00  }
0x95: {  	[tilespmem:s21], [sflag:$0x1] =	stream.linear.gather [hbm4b:s9+s0], $0x100, $0x38;
	[tilespmem:$0xA800] =	vst v63  }
0x96: {  	_ =	swait.ge [sflag:s16], $0x100  }
0x97: {  	[sflag:s16] =	ssyncset.done $0x0  }
0x98: {  	[sflag:s16] =	ssyncadd.s32 $0xFFFFFF00  }
0x99: {  	v15 =	vld.idx.msk [tilespmem:v14+s20+$0x0], $0xffff  }
0x9a: {  	v16 =	vld.idx.msk [tilespmem:v14+s21+$0x0], $0xffff;
	_ =	sdelay $0x6  }
0x9b: {  	v15 =	vld.idx.msk [tilespmem:v15+s17+$0x0], $0xffff  }
0x9c: {  	v17 =	vld.idx.msk [tilespmem:v16+s17+$0x0], $0xffff;
	_ =	sdelay $0x4  }
0x9d: {  	v17 =	vmul.f32 v17, v15;
	v15 =	vmov v14  }
0x9e: {  	s1 =	simm.s32 $0x10  }
0x9f: {  	v16 =	vor.u32 s1, v0;
	s1 =	simm.s32 $0x20  }
.LBB2_4:
0xa0: {  	p1 =	sne.s32 s1, $0xF0;
	v17 =	vsub.f32 $0.0e+00, v17;
	_ =	sdelay $0x1  }
0xa1: {  	[tilespmem:v15+s22+$0x0] =	vst.idx.msk $0xffff, v17;
	v15 =	vmov v16  }
0xa2: {  	v17 =	vld.idx.msk [tilespmem:v16+s20+$0x0], $0xffff  }
0xa3: {  	v16 =	vld.idx.msk [tilespmem:v16+s21+$0x0], $0xffff;
	_ =	sdelay $0x6  }
0xa4: {  	v17 =	vld.idx.msk [tilespmem:v17+s17+$0x0], $0xffff  }
0xa5: {  	v18 =	vld.idx.msk [tilespmem:v16+s17+$0x0], $0xffff;
	_ =	sdelay $0x2  }
.Ltmp3:
0xa6: {  	(pc) =	sbr.rel @p1 .LBB2_4-.Ltmp3, $3  }
0xa7: {  	_ =	sdelay $0x1  }
0xa8: {  	v16 =	vor.u32 s1, v0;
	v17 =	vmul.f32 v18, v17  }
0xa9: {  	s1 =	sadd.s32 $0x10, s1  }
0xaa: {  	_ =	sdelay $0x1  }
0xab: {  	v17 =	vsub.f32 $0.0e+00, v17;
	_ =	sdelay $0x1  }
0xac: {  	[tilespmem:v15+s22+$0x0] =	vst.idx.msk $0xffff, v17  }
0xad: {  	v15 =	vld.idx.msk [tilespmem:v16+s20+$0x0], $0xffff  }
0xae: {  	v17 =	vld.idx.msk [tilespmem:v16+s21+$0x0], $0xffff;
	_ =	sdelay $0x6  }
0xaf: {  	v15 =	vld.idx.msk [tilespmem:v15+s17+$0x0], $0xffff  }
0xb0: {  	v17 =	vld.idx.msk [tilespmem:v17+s17+$0x0], $0xffff;
	_ =	sdelay $0x4  }
0xb1: {  	v15 =	vmul.f32 v17, v15;
	v17 =	vor.u32 s0, v2  }
0xb2: {  	v18 =	vor.u32 s0, v1  }
0xb3: {  	v19 =	vor.u32 s0, v3;
	v15 =	vsub.f32 $0.0e+00, v15  }
0xb4: {  	v20 =	vor.u32 s0, v4  }
0xb5: {  	[tilespmem:v16+s22+$0x0] =	vst.idx.msk $0xffff, v15  }
0xb6: {  	v15 =	vld.idx.msk [tilespmem:v17+s19+$0x0], $0xffff  }
0xb7: {  	v16 =	vld.idx.msk [tilespmem:v18+s18+$0x0], $0xffff  }
0xb8: {  	v17 =	vld.idx.msk [tilespmem:v19+s18+$0x0], $0xffff;
	v18 =	vmov s0  }
0xb9: {  	v19 =	vld.idx.msk [tilespmem:v20+s19+$0x0], $0xffff;
	_ =	sdelay $0x3  }
0xba: {  	v18 =	vld.idx.msk [tilespmem:v18+s22+$0x0], $0xffff  }
0xbb: {  	v15 =	vmul.f32 v15, v16;
	v16 =	vmul.f32 v19, v17;
	_ =	sdelay $0x1  }
0xbc: {  	v15 =	vadd.f32 v16, v15  }
0xbd: {  	s5 =	simm.s32 $0x8;
	v19 =	vor.u32 s0, v5  }
0xbe: {  	v18 =	vmul.f32 v15, v18;
	v15 =	vor.u32 s5, v2  }
0xbf: {  	v16 =	vor.u32 s5, v1  }
0xc0: {  	v17 =	vor.u32 s5, v3  }
0xc1: {  	[tilespmem:v14+s23+$0x0] =	vst.idx.msk $0xffff, v18;
	v14 =	vor.u32 s5, v4  }
0xc2: {  	s1 =	simm.s32 $0x1;
	s4 =	simm.s32 $0x2;
	[tilespmem:v19+s24+$0x0] =	vst.idx.msk $0xffff, v18  }
.LBB2_6:
0xc3: {  	p1 =	sne.s32 s4, $0xFF;
	v15 =	vld.idx.msk [tilespmem:v15+s19+$0x0], $0xffff  }
0xc4: {  	v16 =	vld.idx.msk [tilespmem:v16+s18+$0x0], $0xffff  }
0xc5: {  	v18 =	vmov s1;
	s1 =	smov.u32 s4;
	v17 =	vld.idx.msk [tilespmem:v17+s18+$0x0], $0xffff  }
0xc6: {  	v14 =	vld.idx.msk [tilespmem:v14+s19+$0x0], $0xffff;
	_ =	sdelay $0x3  }
0xc7: {  	v18 =	vld.idx.msk [tilespmem:v18+s22+$0x0], $0xffff;
	_ =	sdelay $0x1  }
0xc8: {  	s0 =	sadd.s32 $0x10, s0;
	v15 =	vmul.f32 v15, v16;
	v14 =	vmul.f32 v14, v17  }
0xc9: {  	v19 =	vor.u32 s0, v0  }
0xca: {  	s5 =	sadd.s32 $0x8, s5;
	v20 =	vor.u32 s0, v5;
	v14 =	vadd.f32 v14, v15  }
.Ltmp4:
0xcb: {  	v15 =	vor.u32 s5, v2;
	(pc) =	sbr.rel @p1 .LBB2_6-.Ltmp4, $4  }
0xcc: {  	v16 =	vor.u32 s5, v1;
	v18 =	vmul.f32 v14, v18  }
0xcd: {  	v17 =	vor.u32 s5, v3  }
0xce: {  	v14 =	vor.u32 s5, v4;
	[tilespmem:v19+s23+$0x0] =	vst.idx.msk $0xffff, v18  }
0xcf: {  	s4 =	sadd.s32 $0x1, s4;
	[tilespmem:v20+s24+$0x0] =	vst.idx.msk $0xffff, v18  }
0xd0: {  	_ =	sdelay $0x3  }
0xd1: {  	v15 =	vld.idx.msk [tilespmem:v15+s19+$0x0], $0xffff  }
0xd2: {  	v16 =	vld.idx.msk [tilespmem:v16+s18+$0x0], $0xffff  }
0xd3: {  	v17 =	vld.idx.msk [tilespmem:v17+s18+$0x0], $0xffff;
	v18 =	vmov s1  }
0xd4: {  	v14 =	vld.idx.msk [tilespmem:v14+s19+$0x0], $0xffff;
	_ =	sdelay $0x3  }
0xd5: {  	v18 =	vld.idx.msk [tilespmem:v18+s22+$0x0], $0xffff  }
0xd6: {  	s0 =	sadd.s32 $0x10, s0;
	v15 =	vmul.f32 v15, v16;
	v14 =	vmul.f32 v14, v17  }
0xd7: {  	v16 =	vor.u32 s0, v0  }
0xd8: {  	v14 =	vadd.f32 v14, v15;
	v15 =	vor.u32 s0, v5;
	_ =	sdelay $0x1  }
0xd9: {  	v14 =	vmul.f32 v14, v18;
	_ =	sdelay $0x1  }
0xda: {  	[tilespmem:v16+s23+$0x0] =	vst.idx.msk $0xffff, v14  }
0xdb: {  	s0 =	simm.s32 $0x0;
	[tilespmem:v15+s24+$0x0] =	vst.idx.msk $0xffff, v14  }
0xdc: {  	[hbm4b:s10+s0] =	stream.linear.scatter [tilespmem:s23], [sflag:$0x1], $0x1000, $0x38;
	[tilespmem:$0xA800] =	vst v63  }
0xdd: {  	_ =	swait.ge [sflag:s16], $0x1000  }
0xde: {  	[sflag:s16] =	ssyncset.done $0x0  }
0xdf: {  	[sflag:s16] =	ssyncadd.s32 $0xFFFFF000  }
0xe0: {  	[hbm4b:s11+s0] =	stream.linear.scatter [tilespmem:s24], [sflag:$0x1], $0x1000, $0x38;
	[tilespmem:$0xA800] =	vst v63  }
0xe1: {  	_ =	swait.ge [sflag:s16], $0x1000  }
0xe2: {  	[sflag:s16] =	ssyncset.done $0x0  }
0xe3: {  	v14 =	vor.u32 s0, v2;
	[sflag:s16] =	ssyncadd.s32 $0xFFFFF000  }
0xe4: {  	v15 =	vor.u32 s0, v1;
	[tilespmem:s25], [sflag:$0x1] =	stream.linear.gather [hbm4b:s12+s0], $0x1000, $0x38;
	[tilespmem:$0xA800] =	vst v63  }
0xe5: {  	v16 =	vor.u32 s0, v3;
	_ =	swait.ge [sflag:s16], $0x1000  }
0xe6: {  	v17 =	vor.u32 s0, v4;
	[sflag:s16] =	ssyncset.done $0x0  }
0xe7: {  	[sflag:s16] =	ssyncadd.s32 $0xFFFFF000  }
0xe8: {  	v14 =	vld.idx.msk [tilespmem:v14+s25+$0x0], $0xffff  }
0xe9: {  	v15 =	vld.idx.msk [tilespmem:v15+s25+$0x0], $0xffff  }
0xea: {  	v16 =	vld.idx.msk [tilespmem:v16+s25+$0x0], $0xffff  }
0xeb: {  	v17 =	vld.idx.msk [tilespmem:v17+s25+$0x0], $0xffff;
	_ =	sdelay $0x3  }
0xec: {  	s13 =	simm.s32 $0x8;
	v18 =	vmul.f32 v14, v15;
	v14 =	vor.u32 s0, v0  }
0xed: {  	v19 =	vmul.f32 v17, v16;
	v15 =	vor.u32 s13, v2  }
0xee: {  	v16 =	vor.u32 s13, v1  }
0xef: {  	v17 =	vor.u32 s13, v3;
	v19 =	vadd.f32 v19, v18  }
0xf0: {  	s1 =	simm.s32 $0x10;
	v18 =	vor.u32 s13, v4  }
.LBB2_8:
0xf1: {  	p1 =	sne.s32 s1, $0xFF8;
	[tilespmem:v14+s26+$0x0] =	vst.idx.msk $0xffff, v19  }
0xf2: {  	v19 =	vld.idx.msk [tilespmem:v15+s25+$0x0], $0xffff  }
0xf3: {  	v16 =	vld.idx.msk [tilespmem:v16+s25+$0x0], $0xffff  }
0xf4: {  	v17 =	vld.idx.msk [tilespmem:v17+s25+$0x0], $0xffff  }
0xf5: {  	v18 =	vld.idx.msk [tilespmem:v18+s25+$0x0], $0xffff;
	_ =	sdelay $0x3  }
0xf6: {  	s0 =	sadd.s32 $0x10, s0  }
.Ltmp5:
0xf7: {  	v14 =	vor.u32 s0, v0;
	(pc) =	sbr.rel @p1 .LBB2_8-.Ltmp5, $4  }
0xf8: {  	v15 =	vor.u32 s1, v2;
	v19 =	vmul.f32 v19, v16;
	v18 =	vmul.f32 v18, v17  }
0xf9: {  	v16 =	vor.u32 s1, v1  }
0xfa: {  	v17 =	vor.u32 s1, v3;
	v19 =	vadd.f32 v18, v19  }
0xfb: {  	v18 =	vor.u32 s1, v4;
	s1 =	sadd.s32 $0x8, s1  }
0xfc: {  	_ =	sdelay $0x3  }
0xfd: {  	[tilespmem:v14+s26+$0x0] =	vst.idx.msk $0xffff, v19  }
0xfe: {  	v14 =	vld.idx.msk [tilespmem:v15+s25+$0x0], $0xffff  }
0xff: {  	v15 =	vld.idx.msk [tilespmem:v16+s25+$0x0], $0xffff  }
0x100: {  	v61 =	vld.idx.msk [tilespmem:v17+s25+$0x0], $0xffff  }
0x101: {  	v62 =	vld.idx.msk [tilespmem:v18+s25+$0x0], $0xffff;
	_ =	sdelay $0x2  }
0x102: {  	s0 =	sadd.s32 $0x10, s0  }
0x103: {  	v63 =	vor.u32 s0, v0  }
0x104: {  	v14 =	vmul.f32 v14, v15;
	v15 =	vmul.f32 v62, v61;
	_ =	sdelay $0x1  }
0x105: {  	v14 =	vadd.f32 v15, v14;
	_ =	sdelay $0x1  }
.Ltmp6:
0x106: {  	[tilespmem:v63+s26+$0x0] =	vst.idx.msk $0xffff, v14;
	(pc) =	sbr.rel @p0 .LBB2_19-.Ltmp6, $4  }
0x107: {  	[hbm4b:s15+s3] =	stream.linear.scatter [tilespmem:s26], [sflag:$0x1], $0x2000, $0x38;
	[tilespmem:$0xA800] =	vst v63  }
0x108: {  	_ =	swait.ge [sflag:s16], $0x2000  }
0x109: {  	[sflag:s16] =	ssyncset.done $0x0  }
0x10a: {  	[sflag:s16] =	ssyncadd.s32 $0xFFFFE000  }
0x10b: {  	s0 =	simm.s32 $0x0;
	s1 =	rddreg [dreg:$0x4]  }
0x10c: {  	[tilespmem:s28], [sflag:$0x1] =	stream.linear.gather [hbm4b:s1+s0], $0x2000, $0x38;
	[tilespmem:$0xA800] =	vst v63  }
0x10d: {  	_ =	swait.ge [sflag:s16], $0x2000  }
0x10e: {  	s7 =	smov.u32 s14;
	[sflag:s16] =	ssyncset.done $0x0  }
0x10f: {  	s14 =	smov.u32 s12;
	s13 =	smov.u32 s11;
	[sflag:s16] =	ssyncadd.s32 $0xFFFFE000  }
0x110: {  	s12 =	smov.u32 s10;
	s11 =	smov.u32 s9;
	s1 =	simm.s32 $0x10;
	v15 =	vor.u32 s0, v0;
	[tilespmem:v6+s28+$0x0] =	vst.idx.msk $0xffff, v7  }
.LBB2_11:
0x111: {  	p1 =	sne.s32 s1, $0x410  }
.Ltmp7:
0x112: {  	_ = 	snop;
	(pc) =	sbr.rel @p1 .LBB2_11-.Ltmp7, $3  }
0x113: {  	_ =	sdelay $0x1  }
0x114: {  	[tilespmem:v15+s29+$0x0] =	vst.idx.msk $0xffff, v8;
	s4 =	smov.u32 s1;
	s1 =	sadd.s32 $0x10, s1  }
0x115: {  	v15 =	vor.u32 s4, v0  }
0x116: {  	s1 =	simm.s32 $0x1;
	v16 =	vor.u32 s0, v0  }
0x117: {  	v14 =	vadd.s32 s1, v0;
	_ =	sdelay $0x2  }
0x118: {  	[tilespmem:v15+s29+$0x0] =	vst.idx.msk $0xffff, v8  }
0x119: {  	v16 =	vld.idx.msk [tilespmem:v16+s28+$0x0], $0xffff  }
0x11a: {  	v15 =	vld.idx.msk [tilespmem:v14+s28+$0x0], $0xffff;
	_ =	sdelay $0x4  }
0x11b: {  	vm1 =	vne.s32 v16, v15  }
0x11c: {  	s9 =	smov.u32 s8;
	s8 =	simm.s32 $0x11;
	v16 =	vadd.s32 $0x1, v16  }
0x11d: {  	s10 =	smov.u32 s6;
	s0 =	simm.s32 $0x10;
	s1 =	simm.s32 $0x20;
	v15 =	vadd.s32 s8, v0  }
.LBB2_13:
0x11e: {  	p1 =	sne.s32 s1, $0x1FF0;
	v17 =	vor.u32 s0, v0;
	s0 =	smov.u32 s1;
	_ =	sdelay $0x2  }
0x11f: {  	[tilespmem:v16+s29+$0x0] =	vst.idx.msk vm1, v14;
	v14 =	vmov v15  }
0x120: {  	v15 =	vld.idx.msk [tilespmem:v15+s28+$0x0], $0xffff  }
0x121: {  	v16 =	vld.idx.msk [tilespmem:v17+s28+$0x0], $0xffff;
	_ =	sdelay $0x3  }
.Ltmp8:
0x122: {  	(pc) =	sbr.rel @p1 .LBB2_13-.Ltmp8, $4  }
0x123: {  	_ = 	snop  }
0x124: {  	vm1 =	vne.s32 v16, v15  }
0x125: {  	s4 =	sadd.s32 $0x1, s1;
	v16 =	vadd.s32 $0x1, v16  }
0x126: {  	s1 =	sadd.s32 $0x10, s1;
	v15 =	vadd.s32 s4, v0  }
0x127: {  	_ =	sdelay $0x1  }
0x128: {  	v17 =	vor.u32 s0, v0;
	_ =	sdelay $0x2  }
0x129: {  	[tilespmem:v16+s29+$0x0] =	vst.idx.msk vm1, v14  }
0x12a: {  	v14 =	vld.idx.msk [tilespmem:v15+s28+$0x0], $0xffff  }
0x12b: {  	v16 =	vld.idx.msk [tilespmem:v17+s28+$0x0], $0xffff;
	_ =	sdelay $0x4  }
0x12c: {  	vm1 =	vne.s32 v16, v14  }
0x12d: {  	s5 =	simm.s32 $0x0;
	v14 =	vadd.s32 $0x1, v16  }
0x12e: {  	v16 =	vor.u32 s5, v0;
	_ =	sdelay $0x3  }
0x12f: {  	[tilespmem:v14+s29+$0x0] =	vst.idx.msk vm1, v15  }
0x130: {  	v14 =	vld.idx.msk [tilespmem:v16+s29+$0x0], $0xffff;
	_ =	sdelay $0x4  }
0x131: {  	v14 =	vxor.u32 $0x80000000, v14  }
0x132: {  	(xrf0) =	vmax.scan.msk.u32 $0xffff, v14;
	_ =	sdelay $0x4  }
0x133: {  	s0 =	simm.s32 $0x10  }
0x134: {  	v14 =	vor.u32 s0, v0;
	v15, _, _ =	vpop (xrf0)  }
0x135: {  	v15 =	vxor.u32 $0x80000000, v15  }
0x136: {  	vm1 =	vgt.s32 v15, s5  }
0x137: {  	v15 =	vnsel vm1, s5, v15  }
0x138: {  	[tilespmem:v16+s29+$0x0] =	vst.idx.msk $0xffff, v15  }
0x139: {  	v16 =	vld.idx.msk [tilespmem:v14+s29+$0x0], $0xffff  }
0x13a: {  	v15 =	vsel vm0, $0x0, v15  }
0x13b: {  	(xrf0) =	vadd.scan.msk.s32 $0xffff, v15;
	_ =	sdelay $0x2  }
0x13c: {  	v15 =	vxor.u32 $0x80000000, v16;
	_ =	sdelay $0x2  }
0x13d: {  	(xrf0) =	vmax.scan.msk.u32 $0xffff, v15;
	v15, _, _ =	vpop (xrf0)  }
0x13e: {  	(v2sf) =	vpush v15, $0xF;
	_ =	sdelay $0xc  }
0x13f: {  	s8 =	smov.u32 s2  }
0x140: {  	s1 =	simm.s32 $0x20;
	s4 =	simm.s32 $0x30;
	s6 =	simm.s32 $0x20;
	v15, _, _ =	vpop (xrf0)  }
.LBB2_15:
0x141: {  	p1 =	sne.s32 s4, $0x400;
	v15 =	vxor.u32 $0x80000000, v15;
	s2 =	spop (v2sf)  }
0x142: {  	vm1 =	vgt.s32 v15, s2  }
0x143: {  	v15 =	vnsel vm1, s2, v15  }
0x144: {  	[tilespmem:v14+s29+$0x0] =	vst.idx.msk $0xffff, v15;
	v14 =	vsel vm0, $0x0, v15  }
0x145: {  	(xrf0) =	vadd.scan.msk.s32 $0xffff, v14;
	_ =	sdelay $0x2  }
0x146: {  	v14 =	vor.u32 s6, v0;
	s6 =	smov.u32 s4;
	_ =	sdelay $0x2  }
0x147: {  	v15, _, _ =	vpop (xrf0)  }
0x148: {  	(v2sf) =	vpush v15, $0xF  }
0x149: {  	v15 =	vld.idx.msk [tilespmem:v14+s29+$0x0], $0xffff;
	_ =	sdelay $0x5  }
0x14a: {  	v15 =	vxor.u32 $0x80000000, v15  }
0x14b: {  	(xrf0) =	vmax.scan.msk.u32 $0xffff, v15;
	_ =	sdelay $0x1  }
.Ltmp9:
0x14c: {  	(pc) =	sbr.rel @p1 .LBB2_15-.Ltmp9, $2  }
0x14d: {  	_ =	sdelay $0x2  }
0x14e: {  	s4 =	sadd.s32 $0x10, s4;
	v15, _, _ =	vpop (xrf0)  }
0x14f: {  	v15 =	vxor.u32 $0x80000000, v15;
	s2 =	spop (v2sf)  }
0x150: {  	vm1 =	vgt.s32 v15, s2  }
0x151: {  	v15 =	vnsel vm1, s2, v15  }
0x152: {  	v16 =	vsel vm0, $0x0, v15  }
0x153: {  	(xrf0) =	vadd.scan.msk.s32 $0xffff, v16;
	_ =	sdelay $0x3  }
0x154: {  	v16 =	vor.u32 s6, v0;
	_ =	sdelay $0x1  }
0x155: {  	v17, _, _ =	vpop (xrf0)  }
0x156: {  	(v2sf) =	vpush v17, $0xF  }
0x157: {  	[tilespmem:v14+s29+$0x0] =	vst.idx.msk $0xffff, v15  }
0x158: {  	v14 =	vld.idx.msk [tilespmem:v16+s29+$0x0], $0xffff;
	_ =	sdelay $0x4  }
0x159: {  	v14 =	vxor.u32 $0x80000000, v14  }
0x15a: {  	(xrf0) =	vmax.scan.msk.u32 $0xffff, v14;
	_ =	sdelay $0x5  }
0x15b: {  	v15 =	vor.u32 s5, v0;
	s6 =	simm.s32 $0x1;
	v14, _, _ =	vpop (xrf0)  }
0x15c: {  	v17 =	vadd.s32 s6, v0;
	v14 =	vxor.u32 $0x80000000, v14;
	s4 =	spop (v2sf)  }
0x15d: {  	vm1 =	vgt.s32 v14, s4  }
0x15e: {  	v14 =	vnsel vm1, s4, v14  }
0x15f: {  	[tilespmem:v16+s29+$0x0] =	vst.idx.msk $0xffff, v14  }
0x160: {  	v16 =	vld.idx.msk [tilespmem:v15+s3+$0x0], $0xffff  }
0x161: {  	v14 =	vsel vm0, $0x0, v14;
	v17 =	vld.idx.msk [tilespmem:v17+s29+$0x0], $0xffff  }
0x162: {  	(xrf0) =	vadd.scan.msk.s32 $0xffff, v14;
	v18 =	vld.idx.msk [tilespmem:v15+s29+$0x0], $0xffff;
	_ =	sdelay $0x2  }
0x163: {  	v14 =	vtrunc.f32 v16  }
0x164: {  	v14 =	vcvt.f32.s32 v14  }
0x165: {  	v16 =	vsub.s32 v17, v18  }
0x166: {  	v17, _, _ =	vpop (xrf0);
	v19 =	vsub.s32 v14, v16;
	(xrf0) =	vadd.scan.msk.s32 $0xffff, v14  }
0x167: {  	(v2sf) =	vpush v17, $0xF;
	(xrf0) =	vadd.scan.msk.s32 $0xffff, v19;
	_ =	sdelay $0x3  }
0x168: {  	v17 =	vor.u32 s5, v9  }
0x169: {  	v21 =	vor.u32 s5, v10;
	v20, _, _ =	vpop (xrf0)  }
0x16a: {  	v23 =	vor.u32 s5, v11;
	v20 =	vadd.s32 s5, v20;
	v22, _, _ =	vpop (xrf0)  }
0x16b: {  	v22 =	vadd.s32 s5, v22;
	v24 =	vsel vm0, $0x0, v20;
	v20 =	vsub.s32 v20, v14  }
0x16c: {  	v25 =	vor.u32 s5, v12;
	v26 =	vsel vm0, $0x0, v22;
	(xrf0) =	vadd.scan.msk.s32 $0xffff, v24;
	[tilespmem:v15+s30+$0x0] =	vst.idx.msk $0xffff, v20  }
0x16d: {  	v63 =	vor.u32 s5, v13;
	(xrf0) =	vadd.scan.msk.s32 $0xffff, v26;
	[tilespmem:v17+s30+$0x0] =	vst.idx.msk $0xffff, v14  }
0x16e: {  	s5 =	simm.s32 $0x11;
	v14 =	vor.u32 s0, v0;
	[tilespmem:v21+s30+$0x0] =	vst.idx.msk $0xffff, v18  }
0x16f: {  	[tilespmem:v23+s30+$0x0] =	vst.idx.msk $0xffff, v16;
	v16 =	vadd.s32 s5, v0  }
0x170: {  	v15 =	vsub.s32 v22, v19  }
0x171: {  	[tilespmem:v25+s30+$0x0] =	vst.idx.msk $0xffff, v15  }
0x172: {  	[tilespmem:v63+s30+$0x0] =	vst.idx.msk $0xffff, v19;
	v17, _, _ =	vpop (xrf0)  }
0x173: {  	s6 =	spop (v2sf);
	v15 =	vld.idx.msk [tilespmem:v14+s3+$0x0], $0xffff;
	(v2sf) =	vpush v17, $0xF;
	v17, _, _ =	vpop (xrf0)  }
.LBB2_17:
0x174: {  	p1 =	sne.s32 s1, $0x3F0;
	v16 =	vld.idx.msk [tilespmem:v16+s29+$0x0], $0xffff;
	(v2sf) =	vpush v17, $0xF;
	s2 =	smov.u32 s1;
	s1 =	sadd.s32 $0x10, s1  }
0x175: {  	v17 =	vld.idx.msk [tilespmem:v14+s29+$0x0], $0xffff;
	_ =	sdelay $0x3  }
0x176: {  	v15 =	vtrunc.f32 v15  }
0x177: {  	v15 =	vcvt.f32.s32 v15  }
0x178: {  	v18 =	vsub.s32 v16, v17  }
0x179: {  	v19 =	vsub.s32 v15, v18;
	(xrf0) =	vadd.scan.msk.s32 $0xffff, v15  }
0x17a: {  	(xrf0) =	vadd.scan.msk.s32 $0xffff, v19;
	_ =	sdelay $0x3  }
0x17b: {  	v16 =	vor.u32 s0, v9  }
0x17c: {  	v20 =	vor.u32 s0, v10;
	v21 =	vor.u32 s0, v13;
	v22, _, _ =	vpop (xrf0);
	s4 =	spop (v2sf)  }
0x17d: {  	v23 =	vor.u32 s0, v11;
	v24 =	vor.u32 s0, v12;
	s0 =	smov.u32 s2;
	v22 =	vadd.s32 s4, v22;
	v25, _, _ =	vpop (xrf0);
	s4 =	spop (v2sf)  }
0x17e: {  	v25 =	vadd.s32 s4, v25;
	v26 =	vsub.s32 v22, v15;
	v22 =	vsel vm0, $0x0, v22  }
0x17f: {  	[tilespmem:v14+s30+$0x0] =	vst.idx.msk $0xffff, v26;
	v26 =	vsub.s32 v25, v19;
	v14 =	vsel vm0, $0x0, v25;
	(xrf0) =	vadd.scan.msk.s32 $0xffff, v22  }
0x180: {  	[tilespmem:v16+s30+$0x0] =	vst.idx.msk $0xffff, v15;
	(xrf0) =	vadd.scan.msk.s32 $0xffff, v14  }
0x181: {  	s2 =	sadd.s32 $0x1, s0;
	v14 =	vor.u32 s0, v0;
	[tilespmem:v20+s30+$0x0] =	vst.idx.msk $0xffff, v17  }
.Ltmp10:
0x182: {  	v16 =	vadd.s32 s2, v0;
	[tilespmem:v23+s30+$0x0] =	vst.idx.msk $0xffff, v18;
	(pc) =	sbr.rel @p1 .LBB2_17-.Ltmp10, $4  }
0x183: {  	[tilespmem:v24+s30+$0x0] =	vst.idx.msk $0xffff, v26  }
0x184: {  	[tilespmem:v21+s30+$0x0] =	vst.idx.msk $0xffff, v19  }
0x185: {  	v17, _, _ =	vpop (xrf0)  }
0x186: {  	v15 =	vld.idx.msk [tilespmem:v14+s3+$0x0], $0xffff;
	(v2sf) =	vpush v17, $0xF;
	v17, _, _ =	vpop (xrf0)  }
.Ltmp11:
0x187: {  	_ = 	snop;
	(pc) =	sbr.rel .LBB2_18-.Ltmp11, $1  }
0x188: {  	_ =	sdelay $0x3  }
.LBB2_20:
0x189: {  	_ =	sfence.sel $0x180000  }
0x18a: {  	[bflag:$0x0] =	sbarrier.arrive $0xFFFF  }
0x18b: {  	_ =	strace $0x90000047  }
0x18c: {  	s0 =	stileid.u32;
	[bflag:$0x2] =	sbarrier.arrive $0xFFFF  }
0x18d: {  	p0 =	sne.s32 s0, $0x0;
	s0 =	rddreg [dreg:$0x3]  }
0x18e: {  	s0 =	sadd.s32 @!p0 $0x100000, s0  }
0x18f: {  	[sflag:s0] =	ssyncadd.tile.s32 @!p0 $0x1;
	_ =	shalt  }
.Lfunc_end2:
_tile_overlayer_lowered:
.L_overlay_start_2:
0x190: {  	(tag) =	ssettag $0x2  }
0x191: {  	s0 =	rddreg [dreg:$0x0];
	s2 =	stileid.u32  }
0x192: {  	s1 =	rddreg [dreg:$0x1];
	p0 =	sne.s32 s2, $0x0  }
0x193: {  	s3 =	rddreg [dreg:$0x2];
	[bflag:$0x3] =	sbarrier.arrive $0xFFFF;
	s2 =	simm.s32 @!p0 $0x1C01  }
0x194: {  	[timem:s3], [sflag:s2] =	dma.local @!p0 [hbm:s0], s1  }
0x195: {  	s0 =	simm.s32 @!p0 $0x1  }
0x196: {  	_ =	swait.ge @!p0 [sflag:s0], s1  }
0x197: {  	s1 =	ssub.s32 @!p0 $0x0, s1;
	[sflag:s0] =	ssyncset.done @!p0 $0x0  }
0x198: {  	[sflag:s0] =	ssyncadd.s32 @!p0 s1  }
0x199: {  	[bflag:$0x3] =	sbarrier.arrive $0xFFFF  }
0x19a: {  	_ =	shalt  }

// kernel: kernel.7.cloned.1.call-start
scs
__scs_entry_jumppad:
0x0: {  	(pc) =	sbr.rel $0x88, $3  }
0x1: {  	(tag) =	ssettag $0x0;
	lr =	simm.s32 $0x1  }
0x2: {  	[smem:$0x3F9D] =	sst lr;
	_ =	strace $0xD0000000  }
0x3: {  	_ = 	snop  }
0x4: {  	_ = 	snop  }
0x5: {  	_ = 	snop  }
0x6: {  	_ = 	snop  }
0x7: {  	_ = 	snop  }
__scs_overlays_trampoline_lowered:
0x8: {  	[smem:$0x3FAC] =	sst s0  }
0x9: {  	[smem:$0x3FAD] =	sst s1  }
0xa: {  	[smem:$0x3FAE] =	sst s2  }
0xb: {  	[smem:$0x3FAF] =	sst s3  }
0xc: {  	[smem:$0x3FB0] =	sst s4  }
0xd: {  	[smem:$0x3FB1] =	sst s5  }
0xe: {  	[smem:$0x3FB2] =	sst s6  }
0xf: {  	[smem:$0x3FB3] =	sst s7  }
0x10: {  	[smem:$0x3FB4] =	sst s8  }
0x11: {  	[smem:$0x3FB5] =	sst s9;
	s0 =	simm.s32 @!p0 $0x0  }
0x12: {  	s1 =	sld [smem:$0x3F9B];
	s0 =	simm.s32 @p0 $0x1  }
0x13: {  	[smem:$0x3FB6] =	sst s0;
	s0 =	simm.s32 @!p1 $0x0  }
0x14: {  	s2 =	sld [smem:$0x3F9A];
	s0 =	simm.s32 @p1 $0x1  }
0x15: {  	[smem:$0x3FB7] =	sst s0;
	s0 =	simm.s32 @!p2 $0x0  }
0x16: {  	s3 =	sld [smem:$0x3FDB];
	s0 =	simm.s32 @p2 $0x1  }
0x17: {  	s4 =	simm.s32 $0x1BF5;
	[smem:$0x3FB9] =	sst s0  }
0x18: {  	s0 =	sld [smem:$0x3F9C];
	_ =	swait.ge [sflag:s4], $0x0  }
0x19: {  	s7 =	sld [smem:$0x3F9D]  }
0x1a: {  	s8 =	sadd.s32 $0xFFFFE003, lr  }
0x1b: {  	s9 =	sadd.s32 $0xFFFFFEF7, lr;
	s5 =	simm.s32 $0xFFFFFFFF;
	p2 =	slt.u32 s8, $0xFFFFF086  }
0x1c: {  	p1 =	slt.u32 s9, $0xF7A;
	s5 =	simm.s32 @!p2 $0x0  }
0x1d: {  	s5 =	simm.s32 @p1 $0x1;
	p0 =	seq.s32 s7, s2  }
0x1e: {  	s7 =	smul.u32 @!p0 $0xF7A, s2;
	p2 =	seq.s32 @!p0 s5, $0x0  }
0x1f: {  	s9 =	smul.u32 $0xF7A, s1;
	s8 =	simm.s32 @!p0 $0x1BF5;
	p2 =	por !p2, p0  }
0x20: {  	[sflag:s8] =	ssyncset.s32 @!p0 $0xFFFFF086;
	s6 =	sadd.s32 @!p0 s3, s7;
	s7 =	simm.s32 @!p0 $0x108  }
0x21: {  	s3 =	sadd.s32 s3, s9;
	s6 =	sadd.s32 @!p0 $0x88, s6;
	s7 =	simm.s32 @p2 $0x1082  }
0x22: {  	[simem:s7], [sflag:s8] =	dma.local @!p0 [hbm:s6], $0xF7A  }
0x23: {  	s9 =	sor.u32 $0xD0000000, s2;
	s6 =	simm.s32 $0x108;
	_ =	swait.ge @!p0 [sflag:s8], $0x0  }
0x24: {  	s3 =	sadd.s32 $0x88, s3;
	s6 =	simm.s32 @!p1 $0x1082;
	[sflag:s4] =	ssyncset.s32 $0xFFFFF086  }
0x25: {  	[simem:s6], [sflag:s4] =	dma.local [hbm:s3], $0xF7A  }
0x26: {  	[smem:$0x3F9D] =	sst s1;
	(tag) =	ssettag s2;
	_ =	strace s9  }
0x27: {  	s1 =	sld [smem:$0x3FAD]  }
0x28: {  	s2 =	sld [smem:$0x3FAE]  }
0x29: {  	s4 =	sld [smem:$0x3FB0]  }
0x2a: {  	p0 =	seq.s32 s5, $0x0;
	s5 =	sld [smem:$0x3FB1]  }
0x2b: {  	s6 =	sld [smem:$0x3FB2]  }
0x2c: {  	s7 =	sld [smem:$0x3FB3]  }
0x2d: {  	s3 =	simm.s32 $0x108;
	s8 =	sld [smem:$0x3FB4]  }
0x2e: {  	s3 =	simm.s32 @!p0 $0x1082;
	s9 =	sld [smem:$0x3FB5]  }
0x2f: {  	lr =	sadd.s32 s0, s3;
	s0 =	sld [smem:$0x3FAC]  }
0x30: {  	s3 =	sld [smem:$0x3FAF]  }
0x31: {  	[smem:$0x3FB8] =	sst s10  }
0x32: {  	s10 =	sld [smem:$0x3FB6];
	_ =	sdelay $0x3  }
0x33: {  	p0 =	seq.s32 s10, $0x1;
	s10 =	sld [smem:$0x3FB8];
	_ =	sdelay $0x3  }
0x34: {  	[smem:$0x3FB8] =	sst s10  }
0x35: {  	s10 =	sld [smem:$0x3FB7];
	_ =	sdelay $0x3  }
0x36: {  	p1 =	seq.s32 s10, $0x1;
	s10 =	sld [smem:$0x3FB8];
	_ =	sdelay $0x3  }
0x37: {  	[smem:$0x3FB8] =	sst s10  }
0x38: {  	s10 =	sld [smem:$0x3FB9]  }
0x39: {  	_ = 	snop;
	(pc) =	sbr.ind lr, $3  }
0x3a: {  	_ = 	snop  }
0x3b: {  	_ = 	snop  }
0x3c: {  	p2 =	seq.s32 s10, $0x1;
	s10 =	sld [smem:$0x3FB8]  }
0x3d: {  	_ =	shalt  }
0x3e: {  	_ =	shalt  }
0x3f: {  	_ =	shalt  }
0x40: {  	_ =	shalt  }
0x41: {  	_ =	shalt  }
0x42: {  	_ =	shalt  }
0x43: {  	_ =	shalt  }
0x44: {  	_ =	shalt  }
0x45: {  	_ =	shalt  }
0x46: {  	_ =	shalt  }
0x47: {  	_ =	shalt  }
0x48: {  	_ =	shalt  }
0x49: {  	_ =	shalt  }
0x4a: {  	_ =	shalt  }
0x4b: {  	_ =	shalt  }
0x4c: {  	_ =	shalt  }
0x4d: {  	_ =	shalt  }
0x4e: {  	_ =	shalt  }
0x4f: {  	_ =	shalt  }
0x50: {  	_ =	shalt  }
0x51: {  	_ =	shalt  }
0x52: {  	_ =	shalt  }
0x53: {  	_ =	shalt  }
0x54: {  	_ =	shalt  }
0x55: {  	_ =	shalt  }
0x56: {  	_ =	shalt  }
0x57: {  	_ =	shalt  }
0x58: {  	_ =	shalt  }
0x59: {  	_ =	shalt  }
0x5a: {  	_ =	shalt  }
0x5b: {  	_ =	shalt  }
0x5c: {  	_ =	shalt  }
0x5d: {  	_ =	shalt  }
0x5e: {  	_ =	shalt  }
0x5f: {  	_ =	shalt  }
0x60: {  	_ =	shalt  }
0x61: {  	_ =	shalt  }
0x62: {  	_ =	shalt  }
0x63: {  	_ =	shalt  }
0x64: {  	_ =	shalt  }
0x65: {  	_ =	shalt  }
0x66: {  	_ =	shalt  }
0x67: {  	_ =	shalt  }
0x68: {  	_ =	shalt  }
0x69: {  	_ =	shalt  }
0x6a: {  	_ =	shalt  }
0x6b: {  	_ =	shalt  }
0x6c: {  	_ =	shalt  }
0x6d: {  	_ =	shalt  }
0x6e: {  	_ =	shalt  }
0x6f: {  	_ =	shalt  }
0x70: {  	_ =	shalt  }
0x71: {  	_ =	shalt  }
0x72: {  	_ =	shalt  }
0x73: {  	_ =	shalt  }
0x74: {  	_ =	shalt  }
0x75: {  	_ =	shalt  }
0x76: {  	_ =	shalt  }
0x77: {  	_ =	shalt  }
0x78: {  	_ =	shalt  }
0x79: {  	_ =	shalt  }
0x7a: {  	_ =	shalt  }
0x7b: {  	_ =	shalt  }
0x7c: {  	_ =	shalt  }
0x7d: {  	_ =	shalt  }
0x7e: {  	_ =	shalt  }
0x7f: {  	_ =	shalt  }
0x80: {  	_ =	shalt  }
0x81: {  	_ =	shalt  }
0x82: {  	_ =	shalt  }
0x83: {  	_ =	shalt  }
0x84: {  	_ =	shalt  }
0x85: {  	_ =	shalt  }
0x86: {  	_ =	shalt  }
0x87: {  	_ =	shalt  }
.Lfunc_end0:
.L_simem_size_0:
called_computation.1_lowered:
.L_overlay_start_0:
0x88: {  	s2 =	sld [smem:$0x3FD9]  }
0x89: {  	s3 =	sld [smem:$0x3FFE];
	_ =	sdelay $0x1  }
0x8a: {  	s1 =	srdreg.scid  }
0x8b: {  	s0 =	sand.u32 $0x1, s1  }
0x8c: {  	s17 =	sshll.u32 s0, $0xA;
	s2 =	sadd.s32 s3, s2  }
0x8d: {  	s2 =	sadd.s32 s2, s17  }
0x8e: {  	[smem:$0x3FC4] =	sst s2  }
0x8f: {  	_ = 	snop  }
0x90: {  	s2 =	sld [smem:$0x3FD0];
	(tm) =	ssettm $0x1  }
0x91: {  	s18 =	sld [smem:$0x3FFB];
	_ =	sdelay $0x3  }
0x92: {  	_ =	strace s18  }
0x93: {  	s3 =	sld [smem:$0x3FFC];
	_ =	sdelay $0x3  }
0x94: {  	_ =	strace s3  }
0x95: {  	s3 =	sld [smem:$0x3FFD];
	_ =	sdelay $0x3  }
0x96: {  	_ =	strace s3  }
0x97: {  	_ =	strace $0x8FFFFFFF  }
0x98: {  	s19 =	sld [smem:$0x3FDB];
	_ =	sdelay $0x1  }
0x99: {  	s4 =	simm.s32 $_scs_section_size  }
0x9a: {  	s5 =	simm.s32 $_size__tile_overlayer_lowered;
	s6 =	simm.s32 $_tile_overlayer_lowered  }
0x9b: {  	s22 =	simm.s32 $0x1BFF;
	s21 =	sshll.u32 s6, $0x1;
	s3 =	sadd.s32 s4, s19  }
0x9c: {  	s7 =	simm.s32 $0x0;
	s20 =	sshll.u32 s5, $0x1;
	s5 =	sadd.s32 s21, s3  }
0x9d: {  	[timem:s7], [sflag:s22] =	dma.local [hbm:s5], s20  }
0x9e: {  	_ =	swait.ge [sflag:s22], s20  }
0x9f: {  	s4 =	ssub.s32 $0x0, s20;
	[sflag:s22] =	ssyncset.done $0x0  }
0xa0: {  	[sflag:s22] =	ssyncadd.s32 s4;
	_ =	sdelay $0x1  }
0xa1: {  	s23 =	simm.s32 $0x1B8B  }
0xa2: {  	_ =	swait.ge [sflag:s23], $0x1  }
0xa3: {  	[sflag:s23] =	ssyncset.done $0x0  }
0xa4: {  	s25 =	simm.s32 $0x1B8E;
	s24 =	sld [smem:$0x3FFE];
	[sflag:s23] =	ssyncadd.s32 $0xFFFFFFFF  }
0xa5: {  	s26 =	simm.s32 $execute0_lowered;
	[smem:$0x3FD2] =	sst s25  }
0xa6: {  	s5 =	sshll.u32 s26, $0x1;
	_ =	strace $0x80000049;
	[dreg:$0x1] =	wrdreg $0xFFFFFFFF  }
0xa7: {  	s28 =	simm.s32 $_size_execute0_lowered;
	s3 =	sadd.s32 s3, s5;
	[dreg:$0x0] =	wrdreg $0x0  }
0xa8: {  	s5 =	sshll.u32 s28, $0x1;
	[dreg:$0x2] =	wrdreg s3  }
0xa9: {  	[dreg:$0x3] =	wrdreg s5  }
0xaa: {  	[dreg:$0x4] =	wrdreg $0xC0  }
0xab: {  	_ =	task [dreg:s7], $0x5FFFF  }
0xac: {  	[dreg:$0x1] =	wrdreg $0xFFFFFFFF  }
0xad: {  	[dreg:$0x0] =	wrdreg $0x60  }
0xae: {  	[dreg:$0x2] =	wrdreg s24  }
0xaf: {  	[dreg:$0x3] =	wrdreg s2  }
0xb0: {  	[dreg:$0x4] =	wrdreg $0x9  }
0xb1: {  	_ =	task.clear_ibuf [dreg:s7], $0x5FFFF;
	_ =	strace $0x90000049  }
0xb2: {  	s29 =	simm.s32 $0x9;
	_ =	strace $0x8000004B  }
0xb3: {  	_ =	swait.ge [sflag:s29], $0x1  }
0xb4: {  	[sflag:s29] =	ssyncadd.s32 $0xFFFFFFFF  }
0xb5: {  	_ =	strace $0x9000004B  }
0xb6: {  	_ =	sfence  }
0xb7: {  	s30 =	sld [smem:$0x0];
	_ =	sdelay $0x2  }
0xb8: {  	s31 =	sshll.u32 s1, $0xD;
	s1 =	sshrl.u32 s1, $0x2  }
0xb9: {  	s3 =	sand.u32 $0x4000, s31;
	s1 =	sadd.s32 s1, s30  }
0xba: {  	s0 =	sor.u32 s3, s0;
	s1 =	sshll.u32 s1, $0x11  }
0xbb: {  	s0 =	sor.u32 s1, s0  }
0xbc: {  	s0 =	sadd.s32 $0x8F2B, s0  }
0xbd: {  	[sflag:s0] =	ssyncadd.remote.s32 $0x1  }
0xbe: {  	_ =	sfence.sel $0xFFFF  }
0xbf: {  	[dreg:$0x0] =	wrdreg $0xFFFFFFFF;
	(pc) =	sbr.abs _section_cstart, $3  }
0xc0: {  	[dreg:$0x1] =	wrdreg $0xFFFFFFFF  }
0xc1: {  	_ =	task.clear_ibuf [dreg:s7], $0x2FFFF;
	_ =	strace $0x9FFFFFFF  }
0xc2: {  	(tm) =	ssettm $0x7FFFFFFF  }
0xc3: {  	_ =	shalt  }
tec
execute0_lowered:
.L_overlay_start_1:
0x0: {  	(tag) =	ssettag $0x1  }
0x1: {  	s0 =	rddreg [dreg:$0x0];
	s1 =	simm.s32 $0x0  }
0x2: {  	s2 =	srdreg.scid;
	s30 =	stileid.u32;
	s12 =	simm.s32 $0x1  }
0x3: {  	s13 =	simm.s32 $0x1800;
	s14 =	simm.s32 $0x3080;
	s15 =	simm.s32 $0x2C00  }
0x4: {  	s16 =	simm.s32 $0x1C00;
	s17 =	simm.s32 $0x2000;
	s18 =	simm.s32 $0x2800  }
0x5: {  	s19 =	simm.s32 $0x2400;
	s20 =	simm.s32 $0x200;
	s21 =	simm.s32 $0x400  }
0x6: {  	[smem:$0x7FF] =	sst s1;
	s3 =	sadd.s32 $0x12400, s0;
	s4 =	sadd.s32 $0x1800, s0  }
0x7: {  	s6 =	sadd.s32 $0x5A00, s0;
	s7 =	sadd.s32 $0x9C00, s0;
	s2 =	sand.u32 $0x1, s2  }
.Ltmp0:
0x8: {  	s29 =	sadd.s32 $0x11E00, s0;
	s5 =	ssub.s32 $0x2, s2;
	(pc) =	sbr.rel .LBB2_1-.Ltmp0, $4  }
0x9: {  	s9 =	sshll.u32 s30, $0x6;
	s0 =	sadd.s32 $0x12200, s0;
	s8 =	sshrl.u32 s5, $0x1  }
0xa: {  	v0 =	vlaneseq.u32;
	_ =	strace $0x8000004A;
	[dreg:$0x3] =	wrdreg s29;
	s31 =	ssub.s32 s5, s8  }
0xb: {  	v1 =	vimm.f32 $0.0e+00;
	v4 =	vimm.s32 $0x0;
	v3 =	vshrl.u32 v0, $0x2;
	s2 =	sshll.u32 s2, $0x5;
	[dreg:$0x4] =	wrdreg s0;
	s0 =	smax.u32 s31, $0x1  }
0xc: {  	vm0 =	vmmov $0x1;
	v2 =	vand.u32 $0x3, v0;
	s1 =	simm.s32 $0x0;
	v3 =	vmul.u32 $0x80, v3;
	s10 =	sor.u32 s2, s9;
	[dreg:$0x5] =	wrdreg s0  }
.LBB2_34:
0xd: {  	s1 =	rddreg [dreg:$0x6]  }
0xe: {  	s0 =	rddreg [dreg:$0x5];
	s1 =	sadd.s32 $0x1, s1  }
0xf: {  	p0 =	sne.s32 s1, s0  }
.Ltmp1:
0x10: {  	_ = 	snop;
	(pc) =	sbr.rel @!p0 .LBB2_35-.Ltmp1, $1  }
0x11: {  	_ =	sdelay $0x3  }
.LBB2_1:
0x12: {  	s29 =	simm.s32 $0x0  }
0x13: {  	s28 =	simm.s32 $0x0;
	v5 =	vmov s29  }
0x14: {  	[dreg:$0x6] =	wrdreg s1;
	s30 =	sand.u32 $0xFF0, s28;
	v5 =	vshll.u32 v5, $0x7  }
0x15: {  	s0 =	rddreg [dreg:$0x3];
	v6 =	vmov s30;
	v5 =	vand.u32 $0x180, v5  }
0x16: {  	[tilespmem:s28], [sflag:$0x1] =	stream.linear.gather [hbm4b:s0+s28], $0x1800, $0x38;
	v6 =	vshll.u32 v6, $0x2;
	v5 =	vbroadcast v5, $0x0;
	[tilespmem:$0x7080] =	vst v63  }
0x17: {  	_ =	swait.ge [sflag:s12], $0x1800;
	v7 =	vor.u32 s30, v0;
	v6 =	vand.u32 $0x3E00, v6  }
0x18: {  	s31 =	simm.s32 $0x0;
	s0 =	simm.s32 $0x10;
	[sflag:s12] =	ssyncset.done $0x0;
	v7 =	vand.u32 $0x7F, v7;
	v5 =	vor.u32 v5, v6  }
0x19: {  	v8 =	vmov s31;
	s5 =	sand.u32 $0xFF0, s0;
	s2 =	rddreg [dreg:$0x4];
	[sflag:s12] =	ssyncadd.s32 $0xFFFFE800;
	v5 =	vor.u32 v7, v5  }
0x1a: {  	[tilespmem:s13], [sflag:$0x1] =	stream.linear.gather [hbm4b:s2+s28], $0x400, $0x38;
	v6 =	vshll.u32 v8, $0x7;
	[tilespmem:$0x7080] =	vst v63  }
0x1b: {  	_ =	swait.ge [sflag:s12], $0x400;
	v8 =	vmov s5;
	v6 =	vand.u32 $0x180, v6  }
0x1c: {  	[sflag:s12] =	ssyncset.done $0x0;
	v8 =	vshll.u32 v8, $0x2;
	v6 =	vbroadcast v6, $0x0  }
0x1d: {  	s2 =	simm.s32 $0x2;
	v7 =	vor.u32 s5, v0;
	[sflag:s12] =	ssyncadd.s32 $0xFFFFFC00;
	v8 =	vand.u32 $0x3E00, v8  }
.LBB2_2:
0x1e: {  	s5 =	sshrl.u32 s2, $0x8;
	p0 =	sne.s32 s2, $0x3FF;
	s2 =	sadd.s32 $0x1, s2;
	v7 =	vand.u32 $0x7F, v7;
	v6 =	vor.u32 v6, v8;
	[tilespmem:v5+s14+$0x0] =	vst.idx.msk $0xffff, v1  }
.Ltmp2:
0x1f: {  	s0 =	sadd.s32 $0x10, s0;
	v8 =	vmov s5;
	v5 =	vor.u32 v7, v6;
	(pc) =	sbr.rel @p0 .LBB2_2-.Ltmp2, $4  }
0x20: {  	s5 =	sand.u32 $0xFF0, s0;
	v6 =	vshll.u32 v8, $0x7  }
0x21: {  	v7 =	vmov s5;
	v6 =	vand.u32 $0x180, v6  }
0x22: {  	v8 =	vshll.u32 v7, $0x2;
	v6 =	vbroadcast v6, $0x0  }
0x23: {  	v7 =	vor.u32 s5, v0;
	v8 =	vand.u32 $0x3E00, v8  }
0x24: {  	v7 =	vand.u32 $0x7F, v7;
	v6 =	vor.u32 v6, v8  }
0x25: {  	v6 =	vor.u32 v7, v6  }
.Ltmp3:
0x26: {  	_ = 	snop;
	(pc) =	sbr.rel .LBB2_4-.Ltmp3, $3  }
0x27: {  	_ =	sdelay $0x1  }
0x28: {  	[tilespmem:v5+s14+$0x0] =	vst.idx.msk $0xffff, v1  }
0x29: {  	s25 =	simm.s32 $0x0;
	s24 =	simm.s32 $0xFFFFFFFF;
	s23 =	simm.s32 $0x0;
	[tilespmem:v6+s14+$0x0] =	vst.idx.msk $0xffff, v1  }
.LBB2_33:
0x2a: {  	s0 =	sshll.u32 s23, $0x6;
	s1 =	sshll.u32 s24, $0xB  }
0x2b: {  	s2 =	rddreg [dreg:$0x1];
	s23 =	sadd.s32 $0x1, s23;
	s0 =	sand.u32 $0x40, s0  }
0x2c: {  	s1 =	sand.u32 $0x1FF000, s1;
	p0 =	sne.s32 s23, $0x20;
	s0 =	sadd.s32 s2, s0  }
.Ltmp4:
0x2d: {  	s0 =	sadd.s32 s1, s0;
	(pc) =	sbr.rel @!p0 .LBB2_34-.Ltmp4, $4  }
0x2e: {  	[hbm4b:s0+s20] =	stream.strided.scatter [tilespmem:s14], [sflag:$0x1], $0x4000, s21, s20, $0x38;
	[tilespmem:$0x7080] =	vst v63  }
0x2f: {  	_ =	swait.ge [sflag:s12], $0x4000  }
0x30: {  	[sflag:s12] =	ssyncset.done $0x0  }
0x31: {  	[sflag:s12] =	ssyncadd.s32 $0xFFFFC000  }
.LBB2_4:
0x32: {  	p0 =	slt.s32 s24, $0x0  }
.Ltmp5:
0x33: {  	_ = 	snop;
	(pc) =	sbr.rel @p0 .LBB2_10-.Ltmp5, $1  }
0x34: {  	_ =	sdelay $0x3  }
0x35: {  	p0 =	slt.s32 s25, $0x1  }
.Ltmp6:
0x36: {  	_ = 	snop;
	(pc) =	sbr.rel @p0 .LBB2_9-.Ltmp6, $2  }
0x37: {  	_ =	sdelay $0x2  }
0x38: {  	s0 =	simm.s32 $0x0  }
0x39: {  	v5 =	vmov s0;
	_ =	sdelay $0x4  }
0x3a: {  	v5 =	vld.idx.msk [tilespmem:v5+s15+$0x0], $0xffff;
	_ =	sdelay $0x2  }
0x3b: {  	s0 =	sadd.s32 $0x1, s0  }
0x3c: {  	p0 =	sne.s32 s25, s0  }
.Ltmp7:
0x3d: {  	v6 =	vshll.u32 v5, $0x2;
	(pc) =	sbr.rel @!p0 .LBB2_8-.Ltmp7, $4  }
0x3e: {  	v5 =	vshll.u32 v5, $0x4;
	v6 =	vor.u32 v2, v6  }
0x3f: {  	v5 =	vand.u32 $0xFFFFFE00, v5;
	v6 =	vand.u32 $0x7F, v6  }
0x40: {  	v5 =	vor.u32 v6, v5  }
0x41: {  	v5 =	vor.u32 v3, v5  }
.LBB2_7:
0x42: {  	v6 =	vmov s0;
	s0 =	sadd.s32 $0x1, s0  }
0x43: {  	p0 =	sne.s32 s25, s0;
	_ =	sdelay $0x2  }
0x44: {  	[tilespmem:v5+s14+$0x0] =	vst.idx.msk $0xffff, v1  }
0x45: {  	v5 =	vld.idx.msk [tilespmem:v6+s15+$0x0], $0xffff;
	_ =	sdelay $0x5  }
.Ltmp8:
0x46: {  	v6 =	vshll.u32 v5, $0x2;
	(pc) =	sbr.rel @p0 .LBB2_7-.Ltmp8, $4  }
0x47: {  	v5 =	vshll.u32 v5, $0x4;
	v6 =	vor.u32 v2, v6  }
0x48: {  	v5 =	vand.u32 $0xFFFFFE00, v5;
	v6 =	vand.u32 $0x7F, v6  }
0x49: {  	v5 =	vor.u32 v6, v5  }
0x4a: {  	v5 =	vor.u32 v3, v5  }
.LBB2_8:
0x4b: {  	_ =	sdelay $0x3  }
0x4c: {  	[tilespmem:v5+s14+$0x0] =	vst.idx.msk $0xffff, v1  }
.LBB2_9:
0x4d: {  	s0 =	sshll.u32 s24, $0x2  }
0x4e: {  	v5 =	vmov s0  }
0x4f: {  	v6 =	vor.u32 s0, v2;
	v5 =	vshll.u32 v5, $0x2  }
0x50: {  	v6 =	vand.u32 $0x7F, v6;
	v5 =	vand.u32 $0xFFFFFE00, v5  }
0x51: {  	v5 =	vor.u32 v6, v5  }
0x52: {  	v5 =	vor.u32 v3, v5;
	_ =	sdelay $0x4  }
0x53: {  	[tilespmem:v5+s14+$0x0] =	vst.idx.msk $0xffff, v1  }
.LBB2_10:
0x54: {  	s24 =	sadd.s32 s10, s23  }
0x55: {  	s0 =	simm.s32 $0x0;
	s2 =	sshll.u32 s24, $0x7  }
0x56: {  	v5 =	vor.u32 s0, v0;
	s2 =	sadd.s32 s3, s2  }
0x57: {  	[tilespmem:s16], [sflag:$0x1] =	stream.linear.gather [hbm4b:s2+s0], $0x400, $0x38;
	[tilespmem:$0x7080] =	vst v63  }
0x58: {  	_ =	swait.ge [sflag:s12], $0x400  }
0x59: {  	[sflag:s12] =	ssyncset.done $0x0  }
0x5a: {  	[sflag:s12] =	ssyncadd.s32 $0xFFFFFC00  }
0x5b: {  	v6 =	vld.idx.msk [tilespmem:v5+s16+$0x0], $0xffff;
	_ =	sdelay $0x4  }
0x5c: {  	vm1 =	vlt.f32 v6, $0.0e+00;
	vm2 =	vgt.f32 v6, $0.0e+00  }
0x5d: {  	vm1 =	vmor vm2, vm1  }
0x5e: {  	v6 =	vsel vm1, $0x1, v4  }
0x5f: {  	(xrf0) =	vadd.scan.msk.s32 $0xffff, v6;
	_ =	sdelay $0x2  }
0x60: {  	v6 =	vmov s0  }
0x61: {  	v6 =	vadd.s32 $0xFFFFFFFF, v6  }
0x62: {  	v6 =	vbroadcast v6, $0x0  }
0x63: {  	v8, _, _ =	vpop (xrf0)  }
0x64: {  	s31 =	simm.s32 $0x10;
	v7 =	vadd.s32 v8, v6;
	(v2sf) =	vpush v8, $0xF  }
0x65: {  	s5 =	simm.s32 $0x20;
	v6 =	vor.u32 s31, v0  }
.LBB2_11:
0x66: {  	p0 =	sne.s32 s5, $0x3F0;
	_ =	sdelay $0x2  }
0x67: {  	[tilespmem:v7+s15+$0x0] =	vst.idx.msk vm1, v5;
	v5 =	vmov v6  }
0x68: {  	v6 =	vld.idx.msk [tilespmem:v6+s16+$0x0], $0xffff;
	_ =	sdelay $0x5  }
0x69: {  	vm1 =	vlt.f32 v6, $0.0e+00;
	vm2 =	vgt.f32 v6, $0.0e+00  }
0x6a: {  	vm1 =	vmor vm2, vm1  }
0x6b: {  	v6 =	vsel vm1, $0x1, v4  }
0x6c: {  	(xrf0) =	vadd.scan.msk.s32 $0xffff, v6;
	s2 =	spop (v2sf)  }
0x6d: {  	s0 =	sadd.s32 s0, s2  }
0x6e: {  	v6 =	vmov s0  }
0x6f: {  	v6 =	vadd.s32 $0xFFFFFFFF, v6  }
.Ltmp9:
0x70: {  	v6 =	vbroadcast v6, $0x0;
	(pc) =	sbr.rel @p0 .LBB2_11-.Ltmp9, $4  }
0x71: {  	_ = 	snop  }
0x72: {  	v8, _, _ =	vpop (xrf0)  }
0x73: {  	v7 =	vadd.s32 v8, v6;
	(v2sf) =	vpush v8, $0xF  }
0x74: {  	v6 =	vor.u32 s5, v0;
	s5 =	sadd.s32 $0x10, s5  }
0x75: {  	_ =	sdelay $0x4  }
0x76: {  	[tilespmem:v7+s15+$0x0] =	vst.idx.msk vm1, v5  }
0x77: {  	v5 =	vld.idx.msk [tilespmem:v6+s16+$0x0], $0xffff;
	_ =	sdelay $0x4  }
0x78: {  	vm1 =	vlt.f32 v5, $0.0e+00;
	vm2 =	vgt.f32 v5, $0.0e+00  }
0x79: {  	vm1 =	vmor vm2, vm1  }
0x7a: {  	v5 =	vsel vm1, $0x1, v4  }
0x7b: {  	(xrf0) =	vadd.scan.msk.s32 $0xffff, v5  }
0x7c: {  	s2 =	spop (v2sf)  }
0x7d: {  	s0 =	sadd.s32 s0, s2  }
0x7e: {  	v5 =	vmov s0  }
0x7f: {  	v5 =	vadd.s32 $0xFFFFFFFF, v5  }
0x80: {  	v5 =	vbroadcast v5, $0x0  }
0x81: {  	v7, _, _ =	vpop (xrf0)  }
0x82: {  	v5 =	vadd.s32 v7, v5  }
0x83: {  	v8 =	vmov s24;
	s1 =	sor.u32 $0x400, s24  }
0x84: {  	v9 =	vmov s1;
	_ =	sdelay $0x2  }
0x85: {  	s31 =	simm.s32 $0x0;
	[tilespmem:v5+s15+$0x0] =	vst.idx.msk vm1, v6  }
0x86: {  	v5 =	vld.idx.msk [tilespmem:v8+s31+$0x0], $0xffff  }
0x87: {  	s2 =	sor.u32 $0x800, s24;
	v6 =	vld.idx.msk [tilespmem:v9+s31+$0x0], $0xffff  }
0x88: {  	v61 =	vmov s2;
	_ =	sdelay $0x2  }
0x89: {  	v5 =	vnsel vm0, $0x0, v5  }
0x8a: {  	(xrf0) =	vadd.scan.msk.s32 $0xffff, v5;
	v5 =	vnsel vm0, $0x0, v6  }
0x8b: {  	(xrf0) =	vadd.scan.msk.s32 $0xffff, v5;
	v5 =	vld.idx.msk [tilespmem:v61+s31+$0x0], $0xffff  }
0x8c: {  	s5 =	sor.u32 $0xC00, s24  }
0x8d: {  	s8 =	sor.u32 $0x1000, s24;
	v10 =	vmov s5  }
0x8e: {  	s9 =	sor.u32 $0x1400, s24;
	v11 =	vmov s8  }
0x8f: {  	v12 =	vmov s9  }
0x90: {  	v5 =	vnsel vm0, $0x0, v5;
	_ =	sdelay $0x1  }
0x91: {  	(v2sf) =	vpush v7, $0xF;
	v6 =	vld.idx.msk [tilespmem:v10+s31+$0x0], $0xffff;
	v7, _, _ =	vpop (xrf0)  }
0x92: {  	v62 =	vld.idx.msk [tilespmem:v11+s31+$0x0], $0xffff;
	(v2sf) =	vpush v7, $0xF;
	(xrf0) =	vadd.scan.msk.s32 $0xffff, v5;
	v5, _, _ =	vpop (xrf0)  }
0x93: {  	v63 =	vld.idx.msk [tilespmem:v12+s31+$0x0], $0xffff;
	(v2sf) =	vpush v5, $0xF;
	_ =	sdelay $0x2  }
0x94: {  	v6 =	vnsel vm0, $0x0, v6  }
0x95: {  	(xrf0) =	vadd.scan.msk.s32 $0xffff, v6;
	v5 =	vnsel vm0, $0x0, v62  }
0x96: {  	(xrf0) =	vadd.scan.msk.s32 $0xffff, v5;
	v5 =	vnsel vm0, $0x0, v63  }
0x97: {  	(xrf0) =	vadd.scan.msk.s32 $0xffff, v5;
	_ =	sdelay $0x2  }
0x98: {  	v5, _, _ =	vpop (xrf0)  }
0x99: {  	v6, _, _ =	vpop (xrf0);
	(v2sf) =	vpush v5, $0xF  }
0x9a: {  	(v2sf) =	vpush v6, $0xF;
	v5, _, _ =	vpop (xrf0)  }
0x9b: {  	(v2sf) =	vpush v5, $0xF;
	v5, _, _ =	vpop (xrf0)  }
0x9c: {  	s11 =	spop (v2sf);
	(v2sf) =	vpush v5, $0xF  }
0x9d: {  	s0 =	spop (v2sf)  }
0x9e: {  	s25 =	spop (v2sf)  }
0x9f: {  	s22 =	sadd.s32 $0x3F, s25  }
0xa0: {  	s5 =	sand.u32 $0x3F, s22  }
0xa1: {  	s8 =	sshra.s32 s22, $0x1F;
	p0 =	slt.s32 s22, $0x1;
	p1 =	sne.s32 s5, $0x0  }
0xa2: {  	s26 =	sshrl.u32 s8, $0x1A;
	p0 =	por !p0, !p1  }
0xa3: {  	s5 =	simm.s32 $0x1;
	s2 =	sadd.s32 s26, s22;
	p0 =	por !p0, !p0  }
0xa4: {  	s2 =	sshra.s32 s2, $0x6;
	s5 =	simm.s32 @!p0 $0x0  }
0xa5: {  	s5 =	ssub.s32 s2, s5  }
0xa6: {  	p0 =	slt.s32 s5, $0x1  }
.Ltmp10:
0xa7: {  	_ = 	snop;
	(pc) =	sbr.rel @!p0 .LBB2_13-.Ltmp10, $4  }
0xa8: {  	s26 =	spop (v2sf)  }
0xa9: {  	s28 =	spop (v2sf)  }
0xaa: {  	s30 =	spop (v2sf)  }
0xab: {  	s29 =	simm.s32 $0x0;
	v6 =	vimm.f32 $0.0e+00;
	v5 =	vld.idx.msk [tilespmem:v8+s13+$0x0], $0xffff;
	s9 =	smov.u32 s25;
	s8 =	spop (v2sf)  }
.LBB2_21:
0xac: {  	s11 =	sadd.s32 $0x3F, s8  }
0xad: {  	s0 =	sshll.u32 s24, $0x2;
	s2 =	sand.u32 $0x3F, s11  }
0xae: {  	s5 =	sshra.s32 s11, $0x1F;
	p0 =	slt.s32 s11, $0x1;
	p1 =	sne.s32 s2, $0x0  }
0xaf: {  	v7 =	vmov s0;
	s22 =	sshrl.u32 s5, $0x1A;
	p0 =	por !p0, !p1  }
0xb0: {  	v8 =	vor.u32 s0, v2;
	v7 =	vshll.u32 v7, $0x2;
	s2 =	simm.s32 $0x1;
	s0 =	sadd.s32 s22, s11;
	p0 =	por !p0, !p0  }
0xb1: {  	v8 =	vand.u32 $0x7F, v8;
	v7 =	vand.u32 $0x7FFFFE00, v7;
	s0 =	sshra.s32 s0, $0x6;
	s2 =	simm.s32 @!p0 $0x0  }
0xb2: {  	v7 =	vor.u32 v8, v7;
	s0 =	ssub.s32 s0, s2  }
0xb3: {  	v7 =	vor.u32 v3, v7;
	p0 =	slt.s32 s0, $0x1  }
.Ltmp11:
0xb4: {  	v6 =	vmul.f32 v6, v5;
	(pc) =	sbr.rel @!p0 .LBB2_22-.Ltmp11, $4  }
0xb5: {  	_ = 	snop  }
0xb6: {  	v5 =	vmul.f32 v6, v5  }
0xb7: {  	s31 =	simm.s32 $0x0  }
0xb8: {  	s29 =	smov.u32 s8;
	s9 =	simm.s32 $0x0;
	s5 =	simm.s32 $0x0;
	[tilespmem:v7+s14+$0x0] =	vst.idx.msk $0xffff, v5  }
.LBB2_27:
0xb9: {  	s0 =	sadd.s32 $0x3F, s28  }
0xba: {  	s1 =	sand.u32 $0x3F, s0  }
0xbb: {  	s2 =	sshra.s32 s0, $0x1F;
	p0 =	slt.s32 s0, $0x1;
	p1 =	sne.s32 s1, $0x0  }
0xbc: {  	s31 =	sshrl.u32 s2, $0x1A;
	p0 =	por !p0, !p1  }
0xbd: {  	s1 =	simm.s32 $0x1;
	s0 =	sadd.s32 s31, s0;
	p0 =	por !p0, !p0  }
0xbe: {  	s0 =	sshra.s32 s0, $0x6;
	s1 =	simm.s32 @!p0 $0x0  }
0xbf: {  	s0 =	ssub.s32 s0, s1  }
0xc0: {  	p0 =	slt.s32 s0, $0x1  }
.Ltmp12:
0xc1: {  	_ = 	snop;
	(pc) =	sbr.rel @!p0 .LBB2_28-.Ltmp12, $4  }
.Ltmp13:
0xc2: {  	_ = 	snop;
	(pc) =	sbr.rel @p0 .LBB2_33-.Ltmp13, $4  }
0xc3: {  	_ = 	snop  }
0xc4: {  	_ = 	snop  }
0xc5: {  	s30 =	simm.s32 $0x0;
	s5 =	smov.u32 s28;
	s9 =	simm.s32 $0x0  }
0xc6: {  	_ = 	snop  }
.LBB2_25:
0xc7: {  	_ =	sdelay $0x3  }
0xc8: {  	[tilespmem:v6+s14+$0x0] =	vst.idx.msk $0xffff, v5  }
.LBB2_26:
0xc9: {  	s9 =	sadd.s32 $0x1, s9  }
0xca: {  	p0 =	sne.s32 s9, s0  }
.Ltmp14:
0xcb: {  	_ = 	snop;
	(pc) =	sbr.rel @!p0 .LBB2_27-.Ltmp14, $2  }
0xcc: {  	_ =	sdelay $0x2  }
0xcd: {  	s29 =	sadd.s32 $0xFFFFFFC0, s29;
	s5 =	sadd.s32 $0x40, s5  }
.LBB2_22:
0xce: {  	s2 =	sshll.u32 s9, $0x6  }
0xcf: {  	s11 =	sadd.s32 s30, s2  }
0xd0: {  	s2 =	ssub.s32 s8, s2;
	s11 =	sshll.u32 s11, $0x1  }
0xd1: {  	p0 =	slt.s32 s2, $0x1;
	s11 =	sand.u32 $0x1FFFFFFE, s11  }
.Ltmp15:
0xd2: {  	s11 =	sadd.s32 s6, s11;
	(pc) =	sbr.rel @p0 .LBB2_26-.Ltmp15, $4  }
0xd3: {  	[tilespmem:s18], [sflag:$0x1] =	stream.linear.gather [hbm4b:s11+s31], $0x400, $0x38;
	[tilespmem:$0x7080] =	vst v63  }
0xd4: {  	_ =	swait.ge [sflag:s12], $0x400  }
0xd5: {  	[sflag:s12] =	ssyncset.done $0x0  }
0xd6: {  	[sflag:s12] =	ssyncadd.s32 $0xFFFFFC00  }
0xd7: {  	v5 =	vmov s5;
	_ =	sdelay $0x4  }
0xd8: {  	p0 =	sgt.s32 s29, $0x1;
	s2 =	smov.u32 s29;
	v5 =	vld.idx.msk [tilespmem:v5+s15+$0x0], $0xffff  }
0xd9: {  	s2 =	simm.s32 @!p0 $0x1  }
0xda: {  	s2 =	smin.u32 s2, $0x40  }
0xdb: {  	s11 =	sshll.u32 s2, $0x4  }
0xdc: {  	v6 =	vor.u32 s31, v0;
	p0 =	sne.s32 s11, $0x10  }
.Ltmp16:
0xdd: {  	v7 =	vshll.u32 v5, $0x2;
	(pc) =	sbr.rel @!p0 .LBB2_25-.Ltmp16, $4  }
0xde: {  	v5 =	vshll.u32 v5, $0x4;
	v7 =	vor.u32 v2, v7  }
0xdf: {  	v5 =	vand.u32 $0xFFFFFE00, v5;
	v7 =	vand.u32 $0x7F, v7  }
0xe0: {  	v7 =	vor.u32 v7, v5  }
0xe1: {  	s22 =	sadd.s32 $0x1, s5;
	s2 =	simm.s32 $0x10;
	v5 =	vld.idx.msk [tilespmem:v6+s18+$0x0], $0xffff;
	v6 =	vor.u32 v3, v7  }
.LBB2_24:
0xe2: {  	v7 =	vmov s22;
	s1 =	smov.u32 s2;
	s2 =	sadd.s32 $0x10, s2  }
0xe3: {  	p0 =	sne.s32 s11, s2;
	_ =	sdelay $0x2  }
0xe4: {  	[tilespmem:v6+s14+$0x0] =	vst.idx.msk $0xffff, v5  }
0xe5: {  	v5 =	vld.idx.msk [tilespmem:v7+s15+$0x0], $0xffff;
	_ =	sdelay $0x3  }
0xe6: {  	v6 =	vor.u32 s1, v0;
	_ =	sdelay $0x1  }
.Ltmp17:
0xe7: {  	v7 =	vshll.u32 v5, $0x2;
	(pc) =	sbr.rel @p0 .LBB2_24-.Ltmp17, $4  }
0xe8: {  	v5 =	vshll.u32 v5, $0x4;
	v7 =	vor.u32 v2, v7  }
0xe9: {  	v8 =	vand.u32 $0xFFFFFE00, v5;
	v7 =	vand.u32 $0x7F, v7  }
0xea: {  	v5 =	vld.idx.msk [tilespmem:v6+s18+$0x0], $0xffff;
	v6 =	vor.u32 v7, v8  }
0xeb: {  	s22 =	sadd.s32 $0x1, s22;
	v6 =	vor.u32 v3, v6  }
.Ltmp18:
0xec: {  	_ = 	snop;
	(pc) =	sbr.rel .LBB2_25-.Ltmp18, $1  }
0xed: {  	_ =	sdelay $0x3  }
.LBB2_31:
0xee: {  	_ =	sdelay $0x3  }
0xef: {  	[tilespmem:v6+s14+$0x0] =	vst.idx.msk $0xffff, v5  }
.LBB2_32:
0xf0: {  	s9 =	sadd.s32 $0x1, s9  }
0xf1: {  	p0 =	sne.s32 s9, s0  }
.Ltmp19:
0xf2: {  	_ = 	snop;
	(pc) =	sbr.rel @!p0 .LBB2_33-.Ltmp19, $2  }
0xf3: {  	_ =	sdelay $0x2  }
0xf4: {  	s5 =	sadd.s32 $0xFFFFFFC0, s5;
	s8 =	sadd.s32 $0x40, s8  }
.LBB2_28:
0xf5: {  	s1 =	sshll.u32 s9, $0x6  }
0xf6: {  	s2 =	sadd.s32 s26, s1  }
0xf7: {  	s1 =	ssub.s32 s28, s1;
	s2 =	sshll.u32 s2, $0x1  }
0xf8: {  	p0 =	slt.s32 s1, $0x1;
	s2 =	sand.u32 $0x1FFFFFFE, s2  }
.Ltmp20:
0xf9: {  	s2 =	sadd.s32 s4, s2;
	(pc) =	sbr.rel @p0 .LBB2_32-.Ltmp20, $4  }
0xfa: {  	[tilespmem:s19], [sflag:$0x1] =	stream.linear.gather [hbm4b:s2+s30], $0x400, $0x38;
	[tilespmem:$0x7080] =	vst v63  }
0xfb: {  	_ =	swait.ge [sflag:s12], $0x400  }
0xfc: {  	[sflag:s12] =	ssyncset.done $0x0  }
0xfd: {  	[sflag:s12] =	ssyncadd.s32 $0xFFFFFC00  }
0xfe: {  	v5 =	vmov s8;
	_ =	sdelay $0x4  }
0xff: {  	p0 =	sgt.s32 s5, $0x1;
	s1 =	smov.u32 s5;
	v5 =	vld.idx.msk [tilespmem:v5+s15+$0x0], $0xffff  }
0x100: {  	s1 =	simm.s32 @!p0 $0x1  }
0x101: {  	s1 =	smin.u32 s1, $0x40  }
0x102: {  	s11 =	sshll.u32 s1, $0x4  }
0x103: {  	v6 =	vor.u32 s30, v0;
	p0 =	sne.s32 s11, $0x10  }
.Ltmp21:
0x104: {  	v7 =	vshll.u32 v5, $0x2;
	(pc) =	sbr.rel @!p0 .LBB2_31-.Ltmp21, $4  }
0x105: {  	v5 =	vshll.u32 v5, $0x4;
	v7 =	vor.u32 v2, v7  }
0x106: {  	v5 =	vand.u32 $0xFFFFFE00, v5;
	v7 =	vand.u32 $0x7F, v7  }
0x107: {  	v7 =	vor.u32 v7, v5  }
0x108: {  	s2 =	simm.s32 $0x10;
	s22 =	sadd.s32 $0x1, s8;
	v5 =	vld.idx.msk [tilespmem:v6+s19+$0x0], $0xffff;
	v6 =	vor.u32 v3, v7  }
.LBB2_30:
0x109: {  	v7 =	vmov s22;
	s1 =	smov.u32 s2;
	s2 =	sadd.s32 $0x10, s2  }
0x10a: {  	p0 =	sne.s32 s11, s2;
	_ =	sdelay $0x2  }
0x10b: {  	[tilespmem:v6+s14+$0x0] =	vst.idx.msk $0xffff, v5  }
0x10c: {  	v5 =	vld.idx.msk [tilespmem:v7+s15+$0x0], $0xffff;
	_ =	sdelay $0x3  }
0x10d: {  	v6 =	vor.u32 s1, v0;
	_ =	sdelay $0x1  }
.Ltmp22:
0x10e: {  	v7 =	vshll.u32 v5, $0x2;
	(pc) =	sbr.rel @p0 .LBB2_30-.Ltmp22, $4  }
0x10f: {  	v5 =	vshll.u32 v5, $0x4;
	v7 =	vor.u32 v2, v7  }
0x110: {  	v8 =	vand.u32 $0xFFFFFE00, v5;
	v7 =	vand.u32 $0x7F, v7  }
0x111: {  	v5 =	vld.idx.msk [tilespmem:v6+s19+$0x0], $0xffff;
	v6 =	vor.u32 v7, v8  }
0x112: {  	s22 =	sadd.s32 $0x1, s22;
	v6 =	vor.u32 v3, v6  }
.Ltmp23:
0x113: {  	_ = 	snop;
	(pc) =	sbr.rel .LBB2_31-.Ltmp23, $1  }
0x114: {  	_ =	sdelay $0x3  }
.LBB2_15:
0x115: {  	v9 =	vmov v6  }
.LBB2_19:
0x116: {  	_ =	sdelay $0x3  }
0x117: {  	v8 =	vld.idx.msk [tilespmem:v8+s17+$0x0], $0xffff;
	_ =	sdelay $0x1  }
0x118: {  	v7 =	vadd.f32 @p0 v7, v9;
	_ =	sdelay $0x1  }
0x119: {  	v6 =	vpsel p0, v7, v6  }
0x11a: {  	v6 =	vadd.f32 v8, v6  }
.LBB2_20:
0x11b: {  	s29 =	sadd.s32 $0x1, s29  }
0x11c: {  	p0 =	sne.s32 s29, s5  }
.Ltmp24:
0x11d: {  	_ = 	snop;
	(pc) =	sbr.rel @!p0 .LBB2_21-.Ltmp24, $2  }
0x11e: {  	_ =	sdelay $0x2  }
0x11f: {  	s9 =	sadd.s32 $0xFFFFFFC0, s9  }
.LBB2_13:
0x120: {  	s2 =	sshll.u32 s29, $0x6  }
0x121: {  	s11 =	sadd.s32 s0, s2  }
0x122: {  	s2 =	ssub.s32 s25, s2;
	s11 =	sshll.u32 s11, $0x1  }
0x123: {  	p0 =	slt.s32 s2, $0x1;
	s11 =	sand.u32 $0x1FFFFFFE, s11  }
.Ltmp25:
0x124: {  	s11 =	sadd.s32 s7, s11;
	(pc) =	sbr.rel @p0 .LBB2_20-.Ltmp25, $4  }
0x125: {  	[tilespmem:s17], [sflag:$0x1] =	stream.linear.gather [hbm4b:s11+s31], $0x400, $0x38;
	[tilespmem:$0x7080] =	vst v63  }
0x126: {  	_ =	swait.ge [sflag:s12], $0x400  }
0x127: {  	[sflag:s12] =	ssyncset.done $0x0  }
0x128: {  	[sflag:s12] =	ssyncadd.s32 $0xFFFFFC00  }
0x129: {  	p0 =	sgt.s32 s9, $0x1;
	s2 =	smov.u32 s9  }
0x12a: {  	s2 =	simm.s32 @!p0 $0x1  }
0x12b: {  	s2 =	smin.u32 s2, $0x40  }
0x12c: {  	s2 =	sshll.u32 s2, $0x4  }
0x12d: {  	p1 =	sne.s32 s2, $0x10  }
.Ltmp26:
0x12e: {  	_ = 	snop;
	(pc) =	sbr.rel @!p1 .LBB2_15-.Ltmp26, $2  }
0x12f: {  	_ =	sdelay $0x2  }
0x130: {  	s22 =	simm.s32 $0x10;
	v8 =	vor.u32 s31, v0;
	p0 =	por $0x0, $0x0  }
0x131: {  	p1 =	sne.s32 s2, $0x20  }
.Ltmp27:
0x132: {  	_ = 	snop;
	(pc) =	sbr.rel @!p1 .LBB2_17-.Ltmp27, $2  }
0x133: {  	_ =	sdelay $0x2  }
0x134: {  	v7 =	vld.idx.msk [tilespmem:v8+s17+$0x0], $0xffff;
	s11 =	simm.s32 $0x20;
	v8 =	vor.u32 s22, v0;
	p0 =	por $0x1, $0x1;
	v9 =	vmov v6  }
.LBB2_18:
0x135: {  	s22 =	smov.u32 s11;
	s11 =	sadd.s32 $0x10, s11  }
0x136: {  	p1 =	sne.s32 s2, s11  }
.Ltmp28:
0x137: {  	_ = 	snop;
	(pc) =	sbr.rel @p1 .LBB2_18-.Ltmp28, $3  }
0x138: {  	_ =	sdelay $0x1  }
0x139: {  	v9 =	vadd.f32 v7, v9;
	v7 =	vld.idx.msk [tilespmem:v8+s17+$0x0], $0xffff  }
0x13a: {  	v8 =	vor.u32 s22, v0  }
.Ltmp29:
0x13b: {  	_ = 	snop;
	(pc) =	sbr.rel .LBB2_19-.Ltmp29, $1  }
0x13c: {  	_ =	sdelay $0x3  }
.LBB2_17:
.Ltmp30:
0x13d: {  	(pc) =	sbr.rel .LBB2_19-.Ltmp30, $2  }
0x13e: {  	_ =	sdelay $0x2  }
0x13f: {  	v9 =	vmov v6  }
.LBB2_35:
0x140: {  	_ =	sfence.sel $0x180000  }
0x141: {  	[bflag:$0x0] =	sbarrier.arrive $0xFFFF  }
0x142: {  	_ =	strace $0x9000004A  }
0x143: {  	s0 =	stileid.u32;
	[bflag:$0x2] =	sbarrier.arrive $0xFFFF  }
0x144: {  	p0 =	sne.s32 s0, $0x0;
	s0 =	rddreg [dreg:$0x2]  }
0x145: {  	s0 =	sadd.s32 @!p0 $0x100000, s0  }
0x146: {  	[sflag:s0] =	ssyncadd.tile.s32 @!p0 $0x1;
	_ =	shalt  }
.Lfunc_end2:
_tile_overlayer_lowered:
.L_overlay_start_2:
0x147: {  	(tag) =	ssettag $0x2  }
0x148: {  	s0 =	rddreg [dreg:$0x0];
	s2 =	stileid.u32  }
0x149: {  	s1 =	rddreg [dreg:$0x1];
	p0 =	sne.s32 s2, $0x0  }
0x14a: {  	s3 =	rddreg [dreg:$0x2];
	[bflag:$0x3] =	sbarrier.arrive $0xFFFF;
	s2 =	simm.s32 @!p0 $0x1C01  }
0x14b: {  	[timem:s3], [sflag:s2] =	dma.local @!p0 [hbm:s0], s1  }
0x14c: {  	s0 =	simm.s32 @!p0 $0x1  }
0x14d: {  	_ =	swait.ge @!p0 [sflag:s0], s1  }
0x14e: {  	s1 =	ssub.s32 @!p0 $0x0, s1;
	[sflag:s0] =	ssyncset.done @!p0 $0x0  }
0x14f: {  	[sflag:s0] =	ssyncadd.s32 @!p0 s1  }
0x150: {  	[bflag:$0x3] =	sbarrier.arrive $0xFFFF  }
0x151: {  	_ =	shalt  }

</sc_bundles>
